<compile_context>
chip_gen: v7x
topology: tpu7x:2x2x1
jax: 0.10.2.dev20260603
libtpu: 0.0.44.dev20260713+nightly
codegen_flags: <defaults>
</compile_context>

<pallas_src>
import functools

import jax
import jax.numpy as jnp
from jax import lax
from jax.experimental import pallas as pl
from jax.experimental.pallas import tpu as pltpu
from jax.experimental.pallas import tpu_sc as plsc

NC = 2
NS = 16
NW = NC * NS
K = 64
C = 16


def _sc_edge_kernel(n_pad, nchunk, dummy, h, emb_rel, src_r, dst_r, typ_r):
    D = h.shape[1]
    rows_per_tile = n_pad // NS
    assert rows_per_tile % K == 0
    nw_rows = rows_per_tile // K
    mesh = plsc.VectorSubcoreMesh(core_axis_name="c", subcore_axis_name="s")

    @functools.partial(
        pl.kernel,
        out_type=[
            jax.ShapeDtypeStruct((NC, n_pad, D), jnp.float32),
            jax.ShapeDtypeStruct((NC, n_pad, 16), jnp.float32),
        ],
        mesh=mesh,
        scratch_types=[
            pltpu.VMEM((C, K), jnp.int32),
            pltpu.VMEM((C, K), jnp.int32),
            pltpu.VMEM((C, K), jnp.int32),
            pltpu.VMEM((K, D), jnp.float32),
            pltpu.VMEM((K, D), jnp.float32),
            pltpu.VMEM((K, 16), jnp.float32),
            pltpu.VMEM((nw_rows, K), jnp.int32),
            pltpu.VMEM_SHARED((n_pad, D), jnp.float32),
            pltpu.VMEM_SHARED((n_pad, 16), jnp.float32),
            pltpu.SemaphoreType.DMA,
            pltpu.SemaphoreType.DMA,
        ],
    )
    def k(h_hbm, rel_hbm, src_hbm, dst_hbm, typ_hbm,
          acc_out, deg_out, src_v, dst_v, typ_v, hbuf, rbuf,
          ones_v, rows_idx, acc_sh, deg_sh, sem0, sem1):
        c = lax.axis_index("c")
        s = lax.axis_index("s")
        wid = s * NC + c
        r0 = s * rows_per_tile

        z16 = jnp.zeros((16,), dtype=jnp.float32)
        iota16 = lax.iota(jnp.int32, 16)

        def zrow(i, _):
            for t in range(D // 16):
                hbuf[i, pl.ds(t * 16, 16)] = z16
            ones_v[i] = z16
            return _

        lax.fori_loop(0, K, zrow, None)

        def idxrow(t, _):
            base = r0 + t * K
            for u in range(K // 16):
                rows_idx[t, pl.ds(u * 16, 16)] = iota16 + (base + u * 16)
            return _

        lax.fori_loop(0, nw_rows, idxrow, None)

        def zinit(t, _):
            pltpu.sync_copy(hbuf, acc_sh.at[rows_idx.at[t]])
            pltpu.sync_copy(ones_v, deg_sh.at[rows_idx.at[t]])
            return _

        lax.fori_loop(0, nw_rows, zinit, None)

        ones_row = jnp.full((16,), 1.0, dtype=jnp.float32)
        for i in range(K):
            ones_v[i] = ones_row

        plsc.subcore_barrier()

        def chunk_body(q, _):
            pltpu.sync_copy(src_hbm.at[wid, pl.ds(q * C, C)], src_v)
            pltpu.sync_copy(dst_hbm.at[wid, pl.ds(q * C, C)], dst_v)
            pltpu.sync_copy(typ_hbm.at[wid, pl.ds(q * C, C)], typ_v)
            def body(j, _):
                sidx = src_v.at[j]
                tidx = typ_v.at[j]
                cp0 = pltpu.async_copy(h_hbm.at[sidx], hbuf, sem0)
                cp1 = pltpu.async_copy(rel_hbm.at[tidx], rbuf, sem1)
                cp0.wait()
                cp1.wait()

                def mrow(i, _):
                    for t in range(D // 16):
                        sl = pl.ds(t * 16, 16)
                        hbuf[i, sl] = hbuf[i, sl] + rbuf[i, sl]
                    return _

                lax.fori_loop(0, K, mrow, None)

                didx = dst_v.at[j]
                pltpu.sync_copy(hbuf, acc_sh.at[didx], add=True)
                pltpu.sync_copy(ones_v, deg_sh.at[didx], add=True)
                return _

            lax.fori_loop(0, C, body, None)
            return _

        lax.fori_loop(0, nchunk, chunk_body, None)

        plsc.subcore_barrier()

        def wout(t, _):
            pltpu.sync_copy(acc_sh.at[rows_idx.at[t]], hbuf)
            pltpu.sync_copy(hbuf, acc_out.at[c, pl.ds(r0 + t * K, K)])
            pltpu.sync_copy(deg_sh.at[rows_idx.at[t]], ones_v)
            pltpu.sync_copy(ones_v, deg_out.at[c, pl.ds(r0 + t * K, K)])
            return _

        lax.fori_loop(0, nw_rows, wout, None)

    return k(h, emb_rel, src_r, dst_r, typ_r)


def _tc_dense_body(h_ref, norm_ref, prev_ref, acc0_ref, acc1_ref,
                   deg0_ref, deg1_ref, wn_ref, wl_ref, we_ref, ws_ref,
                   b_ref, out_ref):
    f32 = jnp.float32
    p = acc0_ref[...] + acc1_ref[...]
    agg = jnp.dot(p, wn_ref[...], preferred_element_type=f32)
    deg = jnp.sum(deg0_ref[...] + deg1_ref[...], axis=1, keepdims=True)
    h = h_ref[...]
    hl = jnp.dot(h, wl_ref[...], preferred_element_type=f32)
    he = jnp.dot(h, we_ref[...], preferred_element_type=f32)
    loop_msg = jnp.where(deg > 0.0, hl, he)
    prev = prev_ref[...]
    gate = jnp.dot(prev, ws_ref[...], preferred_element_type=f32) + b_ref[...]
    skip = 1.0 / (1.0 + jnp.exp(-gate))
    node = agg * norm_ref[...] + loop_msg
    out_ref[...] = skip * node + (1.0 - skip) * prev


def kernel(h, norm, prev_h, emb_rel, edge_index, edge_type,
           weight_neighbor, loop_weight, evolve_loop_weight,
           skip_connect_weight, skip_connect_bias):
    n, d = h.shape
    e = edge_index.shape[1]
    assert d == 128

    epw_raw = -(-e // NW)
    epw = -(-epw_raw // (C * K)) * (C * K)
    nb = epw // K
    nchunk = nb // C
    e_pad = epw * NW
    n_pad = -(-(n + 1) // (NS * K)) * (NS * K)

    src = edge_index[0]
    dst = edge_index[1]
    pad = e_pad - e
    src_r = jnp.pad(src, (0, pad)).reshape(NW, nb, K)
    typ_r = jnp.pad(edge_type, (0, pad)).reshape(NW, nb, K)
    dst_r = jnp.pad(dst, (0, pad), constant_values=n).reshape(NW, nb, K)
    del nb

    acc, deg = _sc_edge_kernel(n_pad, nchunk, n, h, emb_rel, src_r,
                               dst_r, typ_r)

    bn = 2000
    grid = (n // bn,)
    row_block = lambda w: pl.BlockSpec((bn, w), lambda i: (i, 0))
    full = lambda a, b: pl.BlockSpec((a, b), lambda i: (0, 0))
    out = pl.pallas_call(
        _tc_dense_body,
        grid=grid,
        in_specs=[
            row_block(d),
            row_block(1),
            row_block(d),
            row_block(d),
            row_block(d),
            row_block(16),
            row_block(16),
            full(d, d), full(d, d), full(d, d), full(d, d),
            full(1, d),
        ],
        out_specs=row_block(d),
        out_shape=jax.ShapeDtypeStruct((n, d), jnp.float32),
    )(h, norm, prev_h, acc[0, :n], acc[1, :n], deg[0, :n], deg[1, :n],
      weight_neighbor, loop_weight, evolve_loop_weight, skip_connect_weight,
      skip_connect_bias.reshape(1, d))
    return out

# --- scband reference (transcript-rebuilt; emitter-appended) ---
"""Pipeline reference for scband-new-rgcnlayer-8254927142973 (READ-ONLY COPY).

The authoritative reference and input builder live on the scoring server;
editing this copy changes nothing except your own understanding.
"""

import jax, jax.numpy as jnp
import numpy as np
import math

N = 10000
E = 320000
D = 128
R = 400


def _xavier(key, shape, gain):
    fan_in, fan_out = shape[0], shape[1]
    std = gain * math.sqrt(2.0 / (fan_in + fan_out))
    return jax.random.normal(key, shape, dtype=jnp.float32) * std


def setup_inputs(seed: int = 0) -> dict:
    key = jax.random.key(seed)
    ks = jax.random.split(key, 10)
    gain = math.sqrt(2.0)  # calculate_gain('relu')
    h = jax.random.normal(ks[0], (N, D), dtype=jnp.float32)
    norm = jax.random.uniform(ks[1], (N, 1), dtype=jnp.float32)
    prev_h = jax.random.normal(ks[2], (N, D), dtype=jnp.float32)
    emb_rel = jax.random.normal(ks[3], (R, D), dtype=jnp.float32)
    edge_index = jax.random.randint(ks[4], (2, E), 0, N, dtype=jnp.int32)
    edge_type = jax.random.randint(ks[5], (E,), 0, R, dtype=jnp.int32)
    weight_neighbor = _xavier(ks[6], (D, D), gain)
    loop_weight = _xavier(ks[7], (D, D), gain)
    evolve_loop_weight = _xavier(ks[8], (D, D), gain)
    skip_connect_weight = _xavier(ks[9], (D, D), gain)
    skip_connect_bias = jnp.zeros((D,), dtype=jnp.float32)
    return {
        'h': h,
        'norm': norm,
        'prev_h': prev_h,
        'emb_rel': emb_rel,
        'edge_index': edge_index,
        'edge_type': edge_type,
        'weight_neighbor': weight_neighbor,
        'loop_weight': loop_weight,
        'evolve_loop_weight': evolve_loop_weight,
        'skip_connect_weight': skip_connect_weight,
        'skip_connect_bias': skip_connect_bias,
    }


def reference(h, norm, prev_h, emb_rel, edge_index, edge_type,
              weight_neighbor, loop_weight, evolve_loop_weight,
              skip_connect_weight, skip_connect_bias):
    n_nodes = h.shape[0]
    src = edge_index[0]
    dst = edge_index[1]
    # self-loop message: nodes with in_degree > 0 use loop_weight, else evolve_loop_weight
    in_deg = jnp.zeros((n_nodes,), dtype=jnp.float32).at[dst].add(1.0)
    has_in = (in_deg > 0)[:, None]
    loop_message = jnp.where(has_in, h @ loop_weight, h @ evolve_loop_weight)
    # skip gate from prev_h
    skip_weight = jax.nn.sigmoid(prev_h @ skip_connect_weight + skip_connect_bias)
    # message function: (h_src + rel_emb[type]) @ W, then sum over dst
    rel = jnp.take(emb_rel, edge_type, axis=0)
    msg = (jnp.take(h, src, axis=0) + rel) @ weight_neighbor
    agg = jax.ops.segment_sum(msg, dst, num_segments=n_nodes)
    # apply_func: h * norm
    node_repr = agg * norm
    # self-loop add, then gated skip connection
    node_repr = node_repr + loop_message
    node_repr = skip_weight * node_repr + (1.0 - skip_weight) * prev_h
    return node_repr

if __name__ == "__main__":
    import jax
    _d = setup_inputs()
    print(jax.jit(kernel)(*tuple(_d.values())))

</pallas_src>

<mosaic_0001>
#map = affine_map<(d0, d1) -> (0, 0)>
#map1 = affine_map<(d0, d1) -> (0, 0, 0)>
module attributes {stable_mosaic.version = 14 : i64} {
  func.func @k(%arg0: i32, %arg1: i32, %arg2: memref<10000x128xf32, #tpu.memory_space<hbm>>, %arg3: memref<400x128xf32, #tpu.memory_space<hbm>>, %arg4: memref<32x160x64xi32, #tpu.memory_space<hbm>>, %arg5: memref<32x160x64xi32, #tpu.memory_space<hbm>>, %arg6: memref<32x160x64xi32, #tpu.memory_space<hbm>>, %arg7: memref<2x10240x128xf32, #tpu.memory_space<hbm>>, %arg8: memref<2x10240x16xf32, #tpu.memory_space<hbm>>, %arg9: memref<16x64xi32, #tpu.memory_space<vmem>>, %arg10: memref<16x64xi32, #tpu.memory_space<vmem>>, %arg11: memref<16x64xi32, #tpu.memory_space<vmem>>, %arg12: memref<64x128xf32, #tpu.memory_space<vmem>>, %arg13: memref<64x128xf32, #tpu.memory_space<vmem>>, %arg14: memref<64x16xf32, #tpu.memory_space<vmem>>, %arg15: memref<10x64xi32, #tpu.memory_space<vmem>>, %arg16: memref<10240x128xf32, #tpu.memory_space<vmem_shared>>, %arg17: memref<10240x16xf32, #tpu.memory_space<vmem_shared>>, %arg18: memref<!tpu.dma_semaphore, #tpu.memory_space<semaphore_mem>>, %arg19: memref<!tpu.dma_semaphore, #tpu.memory_space<semaphore_mem>>) attributes {dimension_semantics = [#tpu.dimension_semantics<core_parallel>, #tpu.dimension_semantics<subcore_parallel>], iteration_bounds = array<i64: 2, 16>, scalar_prefetch = 0 : i64, scratch_operands = 11 : i64, tpu.core_type = #tpu.core_type<sc_vector_subcore>, window_params = [{transform_indices = #map}, {transform_indices = #map}, {transform_indices = #map1}, {transform_indices = #map1}, {transform_indices = #map1}, {transform_indices = #map1}, {transform_indices = #map1}]} {
    %mul3A = arith.constant 2 : i32
    %mul3A_0 = arith.muli %arg1, %mul3A : i32
    %add3A = arith.addi %mul3A_0, %arg0 : i32
    %mul3A_1 = arith.constant 640 : i32
    %mul3A_2 = arith.muli %arg1, %mul3A_1 : i32
    %broadcast_in_dim3A = arith.constant 0.000000e+00 : f32
    %broadcast_in_dim3A_3 = vector.broadcast %broadcast_in_dim3A : f32 to vector<16xf32>
    %iota3A = tpu.iota {dimensions = array<i32: 0>} : vector<16xi32>
    %scan3A = arith.constant 0 : i32
    %scan3A_4 = arith.constant 64 : i32
    %scan3A_5 = arith.addi %scan3A, %scan3A_4 : i32
    %scan3A_6 = arith.constant 1 : i32
    scf.for %scan3A_414 = %scan3A to %scan3A_5 step %scan3A_6  : i32 {
      %swap3A_415 = arith.index_cast %scan3A_414 : i32 to index
      %swap3A_416 = arith.constant 0 : index
      %swap3A_417 = tpu.vector_load %arg12[%swap3A_415, %swap3A_416] {strides = array<i32>} : memref<64x128xf32, #tpu.memory_space<vmem>>, vector<1x16xf32>,
      %swap3A_418 = vector.shape_cast %swap3A_417 : vector<1x16xf32> to vector<16xf32>
      %swap3A_419 = vector.shape_cast %broadcast_in_dim3A_3 : vector<16xf32> to vector<1x16xf32>
      tpu.vector_store %arg12[%swap3A_415, %swap3A_416], %swap3A_419 {strides = array<i32>} : memref<64x128xf32, #tpu.memory_space<vmem>>, vector<1x16xf32>,
      %swap3A_420 = arith.index_cast %scan3A_414 : i32 to index
      %swap3A_421 = arith.constant 16 : index
      %swap3A_422 = tpu.vector_load %arg12[%swap3A_420, %swap3A_421] {strides = array<i32>} : memref<64x128xf32, #tpu.memory_space<vmem>>, vector<1x16xf32>,
      %swap3A_423 = vector.shape_cast %swap3A_422 : vector<1x16xf32> to vector<16xf32>
      %swap3A_424 = vector.shape_cast %broadcast_in_dim3A_3 : vector<16xf32> to vector<1x16xf32>
      tpu.vector_store %arg12[%swap3A_420, %swap3A_421], %swap3A_424 {strides = array<i32>} : memref<64x128xf32, #tpu.memory_space<vmem>>, vector<1x16xf32>,
      %swap3A_425 = arith.index_cast %scan3A_414 : i32 to index
      %swap3A_426 = arith.constant 32 : index
      %swap3A_427 = tpu.vector_load %arg12[%swap3A_425, %swap3A_426] {strides = array<i32>} : memref<64x128xf32, #tpu.memory_space<vmem>>, vector<1x16xf32>,
      %swap3A_428 = vector.shape_cast %swap3A_427 : vector<1x16xf32> to vector<16xf32>
      %swap3A_429 = vector.shape_cast %broadcast_in_dim3A_3 : vector<16xf32> to vector<1x16xf32>
      tpu.vector_store %arg12[%swap3A_425, %swap3A_426], %swap3A_429 {strides = array<i32>} : memref<64x128xf32, #tpu.memory_space<vmem>>, vector<1x16xf32>,
      %swap3A_430 = arith.index_cast %scan3A_414 : i32 to index
      %swap3A_431 = arith.constant 48 : index
      %swap3A_432 = tpu.vector_load %arg12[%swap3A_430, %swap3A_431] {strides = array<i32>} : memref<64x128xf32, #tpu.memory_space<vmem>>, vector<1x16xf32>,
      %swap3A_433 = vector.shape_cast %swap3A_432 : vector<1x16xf32> to vector<16xf32>
      %swap3A_434 = vector.shape_cast %broadcast_in_dim3A_3 : vector<16xf32> to vector<1x16xf32>
      tpu.vector_store %arg12[%swap3A_430, %swap3A_431], %swap3A_434 {strides = array<i32>} : memref<64x128xf32, #tpu.memory_space<vmem>>, vector<1x16xf32>,
      %swap3A_435 = arith.index_cast %scan3A_414 : i32 to index
      %swap3A_436 = arith.constant 64 : index
      %swap3A_437 = tpu.vector_load %arg12[%swap3A_435, %swap3A_436] {strides = array<i32>} : memref<64x128xf32, #tpu.memory_space<vmem>>, vector<1x16xf32>,
      %swap3A_438 = vector.shape_cast %swap3A_437 : vector<1x16xf32> to vector<16xf32>
      %swap3A_439 = vector.shape_cast %broadcast_in_dim3A_3 : vector<16xf32> to vector<1x16xf32>
      tpu.vector_store %arg12[%swap3A_435, %swap3A_436], %swap3A_439 {strides = array<i32>} : memref<64x128xf32, #tpu.memory_space<vmem>>, vector<1x16xf32>,
      %swap3A_440 = arith.index_cast %scan3A_414 : i32 to index
      %swap3A_441 = arith.constant 80 : index
      %swap3A_442 = tpu.vector_load %arg12[%swap3A_440, %swap3A_441] {strides = array<i32>} : memref<64x128xf32, #tpu.memory_space<vmem>>, vector<1x16xf32>,
      %swap3A_443 = vector.shape_cast %swap3A_442 : vector<1x16xf32> to vector<16xf32>
      %swap3A_444 = vector.shape_cast %broadcast_in_dim3A_3 : vector<16xf32> to vector<1x16xf32>
      tpu.vector_store %arg12[%swap3A_440, %swap3A_441], %swap3A_444 {strides = array<i32>} : memref<64x128xf32, #tpu.memory_space<vmem>>, vector<1x16xf32>,
      %swap3A_445 = arith.index_cast %scan3A_414 : i32 to index
      %swap3A_446 = arith.constant 96 : index
      %swap3A_447 = tpu.vector_load %arg12[%swap3A_445, %swap3A_446] {strides = array<i32>} : memref<64x128xf32, #tpu.memory_space<vmem>>, vector<1x16xf32>,
      %swap3A_448 = vector.shape_cast %swap3A_447 : vector<1x16xf32> to vector<16xf32>
      %swap3A_449 = vector.shape_cast %broadcast_in_dim3A_3 : vector<16xf32> to vector<1x16xf32>
      tpu.vector_store %arg12[%swap3A_445, %swap3A_446], %swap3A_449 {strides = array<i32>} : memref<64x128xf32, #tpu.memory_space<vmem>>, vector<1x16xf32>,
      %swap3A_450 = arith.index_cast %scan3A_414 : i32 to index
      %swap3A_451 = arith.constant 112 : index
      %swap3A_452 = tpu.vector_load %arg12[%swap3A_450, %swap3A_451] {strides = array<i32>} : memref<64x128xf32, #tpu.memory_space<vmem>>, vector<1x16xf32>,
      %swap3A_453 = vector.shape_cast %swap3A_452 : vector<1x16xf32> to vector<16xf32>
      %swap3A_454 = vector.shape_cast %broadcast_in_dim3A_3 : vector<16xf32> to vector<1x16xf32>
      tpu.vector_store %arg12[%swap3A_450, %swap3A_451], %swap3A_454 {strides = array<i32>} : memref<64x128xf32, #tpu.memory_space<vmem>>, vector<1x16xf32>,
      %swap3A_455 = arith.index_cast %scan3A_414 : i32 to index
      %swap3A_456 = arith.constant 0 : index
      %swap3A_457 = tpu.vector_load %arg14[%swap3A_455, %swap3A_456] {strides = array<i32>} : memref<64x16xf32, #tpu.memory_space<vmem>>, vector<1x16xf32>,
      %swap3A_458 = vector.shape_cast %swap3A_457 : vector<1x16xf32> to vector<16xf32>
      %swap3A_459 = vector.shape_cast %broadcast_in_dim3A_3 : vector<16xf32> to vector<1x16xf32>
      tpu.vector_store %arg14[%swap3A_455, %swap3A_456], %swap3A_459 {strides = array<i32>} : memref<64x16xf32, #tpu.memory_space<vmem>>, vector<1x16xf32>,
    }
    %scan3A_7 = arith.constant 64 : i32
    %scan3A_8 = arith.constant 0 : i32
    %scan3A_9 = arith.constant 10 : i32
    %scan3A_10 = arith.addi %scan3A_8, %scan3A_9 : i32
    %scan3A_11 = arith.constant 1 : i32
    scf.for %scan3A_414 = %scan3A_8 to %scan3A_10 step %scan3A_11  : i32 {
      %mul3A_415 = arith.constant 64 : i32
      %mul3A_416 = arith.muli %scan3A_414, %mul3A_415 : i32
      %add3A_417 = arith.addi %mul3A_2, %mul3A_416 : i32
      %add3A_418 = arith.constant 0 : i32
      %add3A_419 = arith.addi %add3A_417, %add3A_418 : i32
      %add3A_420 = vector.broadcast %add3A_419 : i32 to vector<16xi32>
      %add3A_421 = arith.addi %iota3A, %add3A_420 : vector<16xi32>
      %swap3A_422 = arith.index_cast %scan3A_414 : i32 to index
      %swap3A_423 = arith.constant 0 : index
      %swap3A_424 = tpu.vector_load %arg15[%swap3A_422, %swap3A_423] {strides = array<i32>} : memref<10x64xi32, #tpu.memory_space<vmem>>, vector<1x16xi32>,
      %swap3A_425 = vector.shape_cast %swap3A_424 : vector<1x16xi32> to vector<16xi32>
      %swap3A_426 = vector.shape_cast %add3A_421 : vector<16xi32> to vector<1x16xi32>
      tpu.vector_store %arg15[%swap3A_422, %swap3A_423], %swap3A_426 {strides = array<i32>} : memref<10x64xi32, #tpu.memory_space<vmem>>, vector<1x16xi32>,
      %add3A_427 = arith.constant 16 : i32
      %add3A_428 = arith.addi %add3A_417, %add3A_427 : i32
      %add3A_429 = vector.broadcast %add3A_428 : i32 to vector<16xi32>
      %add3A_430 = arith.addi %iota3A, %add3A_429 : vector<16xi32>
      %swap3A_431 = arith.index_cast %scan3A_414 : i32 to index
      %swap3A_432 = arith.constant 16 : index
      %swap3A_433 = tpu.vector_load %arg15[%swap3A_431, %swap3A_432] {strides = array<i32>} : memref<10x64xi32, #tpu.memory_space<vmem>>, vector<1x16xi32>,
      %swap3A_434 = vector.shape_cast %swap3A_433 : vector<1x16xi32> to vector<16xi32>
      %swap3A_435 = vector.shape_cast %add3A_430 : vector<16xi32> to vector<1x16xi32>
      tpu.vector_store %arg15[%swap3A_431, %swap3A_432], %swap3A_435 {strides = array<i32>} : memref<10x64xi32, #tpu.memory_space<vmem>>, vector<1x16xi32>,
      %add3A_436 = arith.constant 32 : i32
      %add3A_437 = arith.addi %add3A_417, %add3A_436 : i32
      %add3A_438 = vector.broadcast %add3A_437 : i32 to vector<16xi32>
      %add3A_439 = arith.addi %iota3A, %add3A_438 : vector<16xi32>
      %swap3A_440 = arith.index_cast %scan3A_414 : i32 to index
      %swap3A_441 = arith.constant 32 : index
      %swap3A_442 = tpu.vector_load %arg15[%swap3A_440, %swap3A_441] {strides = array<i32>} : memref<10x64xi32, #tpu.memory_space<vmem>>, vector<1x16xi32>,
      %swap3A_443 = vector.shape_cast %swap3A_442 : vector<1x16xi32> to vector<16xi32>
      %swap3A_444 = vector.shape_cast %add3A_439 : vector<16xi32> to vector<1x16xi32>
      tpu.vector_store %arg15[%swap3A_440, %swap3A_441], %swap3A_444 {strides = array<i32>} : memref<10x64xi32, #tpu.memory_space<vmem>>, vector<1x16xi32>,
      %add3A_445 = arith.constant 48 : i32
      %add3A_446 = arith.addi %add3A_417, %add3A_445 : i32
      %add3A_447 = vector.broadcast %add3A_446 : i32 to vector<16xi32>
      %add3A_448 = arith.addi %iota3A, %add3A_447 : vector<16xi32>
      %swap3A_449 = arith.index_cast %scan3A_414 : i32 to index
      %swap3A_450 = arith.constant 48 : index
      %swap3A_451 = tpu.vector_load %arg15[%swap3A_449, %swap3A_450] {strides = array<i32>} : memref<10x64xi32, #tpu.memory_space<vmem>>, vector<1x16xi32>,
      %swap3A_452 = vector.shape_cast %swap3A_451 : vector<1x16xi32> to vector<16xi32>
      %swap3A_453 = vector.shape_cast %add3A_448 : vector<16xi32> to vector<1x16xi32>
      tpu.vector_store %arg15[%swap3A_449, %swap3A_450], %swap3A_453 {strides = array<i32>} : memref<10x64xi32, #tpu.memory_space<vmem>>, vector<1x16xi32>,
    }
    %scan3A_12 = arith.constant 10 : i32
    %scan3A_13 = arith.constant 0 : i32
    %scan3A_14 = arith.constant 10 : i32
    %scan3A_15 = arith.addi %scan3A_13, %scan3A_14 : i32
    %scan3A_16 = arith.constant 1 : i32
    scf.for %scan3A_414 = %scan3A_13 to %scan3A_15 step %scan3A_16  : i32 {
      "tpu.region"() ({
        %run_scoped3A = tpu.sem_alloc : memref<!tpu.dma_semaphore, #tpu.memory_space<semaphore_mem>>
        %dma_start3A = arith.constant 0 : i32
        %dma_start3A_415 = tpu.memref_slice %arg15[%scan3A_414, %dma_start3A] : memref<10x64xi32, #tpu.memory_space<vmem>> -> memref<1x64xi32, #tpu.memory_space<vmem>>
        %dma_start3A_416 = tpu.memref_squeeze %dma_start3A_415 : memref<1x64xi32, #tpu.memory_space<vmem>> -> memref<64xi32, #tpu.memory_space<vmem>>
        %dma_start3A_417 = arith.constant 0 : i32
        %dma_start3A_418 = arith.constant 0 : i32
        %dma_start3A_419 = tpu.memref_slice %arg16[%dma_start3A_417, %dma_start3A_418] : memref<10240x128xf32, #tpu.memory_space<vmem_shared>> -> memref<10240x128xf32, #tpu.memory_space<vmem_shared>>
        tpu.enqueue_indirect_dma source(%arg12 : memref<64x128xf32, #tpu.memory_space<vmem>>) target(%dma_start3A_419 : memref<10240x128xf32, #tpu.memory_space<vmem_shared>>) offsets(%dma_start3A_416 : memref<64xi32, #tpu.memory_space<vmem>>) semaphore(%run_scoped3A : memref<!tpu.dma_semaphore, #tpu.memory_space<semaphore_mem>>)
        %dma_wait3A = arith.constant 0 : i32
        %dma_wait3A_420 = tpu.memref_slice %arg15[%scan3A_414, %dma_wait3A] : memref<10x64xi32, #tpu.memory_space<vmem>> -> memref<1x64xi32, #tpu.memory_space<vmem>>
        %dma_wait3A_421 = tpu.memref_squeeze %dma_wait3A_420 : memref<1x64xi32, #tpu.memory_space<vmem>> -> memref<64xi32, #tpu.memory_space<vmem>>
        %dma_wait3A_422 = arith.constant 0 : i32
        %dma_wait3A_423 = arith.constant 0 : i32
        %dma_wait3A_424 = tpu.memref_slice %arg16[%dma_wait3A_422, %dma_wait3A_423] : memref<10240x128xf32, #tpu.memory_space<vmem_shared>> -> memref<10240x128xf32, #tpu.memory_space<vmem_shared>>
        tpu.wait_indirect_dma semaphore(%run_scoped3A : memref<!tpu.dma_semaphore, #tpu.memory_space<semaphore_mem>>) src(%arg12 : memref<64x128xf32, #tpu.memory_space<vmem>>) dst(%dma_wait3A_424 : memref<10240x128xf32, #tpu.memory_space<vmem_shared>>)
        tpu.yield
      }) : () -> ()
      "tpu.region"() ({
        %run_scoped3A = tpu.sem_alloc : memref<!tpu.dma_semaphore, #tpu.memory_space<semaphore_mem>>
        %dma_start3A = arith.constant 0 : i32
        %dma_start3A_415 = tpu.memref_slice %arg15[%scan3A_414, %dma_start3A] : memref<10x64xi32, #tpu.memory_space<vmem>> -> memref<1x64xi32, #tpu.memory_space<vmem>>
        %dma_start3A_416 = tpu.memref_squeeze %dma_start3A_415 : memref<1x64xi32, #tpu.memory_space<vmem>> -> memref<64xi32, #tpu.memory_space<vmem>>
        %dma_start3A_417 = arith.constant 0 : i32
        %dma_start3A_418 = arith.constant 0 : i32
        %dma_start3A_419 = tpu.memref_slice %arg17[%dma_start3A_417, %dma_start3A_418] : memref<10240x16xf32, #tpu.memory_space<vmem_shared>> -> memref<10240x16xf32, #tpu.memory_space<vmem_shared>>
        tpu.enqueue_indirect_dma source(%arg14 : memref<64x16xf32, #tpu.memory_space<vmem>>) target(%dma_start3A_419 : memref<10240x16xf32, #tpu.memory_space<vmem_shared>>) offsets(%dma_start3A_416 : memref<64xi32, #tpu.memory_space<vmem>>) semaphore(%run_scoped3A : memref<!tpu.dma_semaphore, #tpu.memory_space<semaphore_mem>>)
        %dma_wait3A = arith.constant 0 : i32
        %dma_wait3A_420 = tpu.memref_slice %arg15[%scan3A_414, %dma_wait3A] : memref<10x64xi32, #tpu.memory_space<vmem>> -> memref<1x64xi32, #tpu.memory_space<vmem>>
        %dma_wait3A_421 = tpu.memref_squeeze %dma_wait3A_420 : memref<1x64xi32, #tpu.memory_space<vmem>> -> memref<64xi32, #tpu.memory_space<vmem>>
        %dma_wait3A_422 = arith.constant 0 : i32
        %dma_wait3A_423 = arith.constant 0 : i32
        %dma_wait3A_424 = tpu.memref_slice %arg17[%dma_wait3A_422, %dma_wait3A_423] : memref<10240x16xf32, #tpu.memory_space<vmem_shared>> -> memref<10240x16xf32, #tpu.memory_space<vmem_shared>>
        tpu.wait_indirect_dma semaphore(%run_scoped3A : memref<!tpu.dma_semaphore, #tpu.memory_space<semaphore_mem>>) src(%arg14 : memref<64x16xf32, #tpu.memory_space<vmem>>) dst(%dma_wait3A_424 : memref<10240x16xf32, #tpu.memory_space<vmem_shared>>)
        tpu.yield
      }) : () -> ()
    }
    %scan3A_17 = arith.constant 10 : i32
    %broadcast_in_dim3A_18 = arith.constant 1.000000e+00 : f32
    %broadcast_in_dim3A_19 = vector.broadcast %broadcast_in_dim3A_18 : f32 to vector<16xf32>
    %swap3A = arith.constant 0 : i32
    %swap3A_20 = arith.index_cast %swap3A : i32 to index
    %swap3A_21 = arith.constant 0 : index
    %swap3A_22 = tpu.vector_load %arg14[%swap3A_20, %swap3A_21] {strides = array<i32>} : memref<64x16xf32, #tpu.memory_space<vmem>>, vector<1x16xf32>,
    %swap3A_23 = vector.shape_cast %swap3A_22 : vector<1x16xf32> to vector<16xf32>
    %swap3A_24 = vector.shape_cast %broadcast_in_dim3A_19 : vector<16xf32> to vector<1x16xf32>
    tpu.vector_store %arg14[%swap3A_20, %swap3A_21], %swap3A_24 {strides = array<i32>} : memref<64x16xf32, #tpu.memory_space<vmem>>, vector<1x16xf32>,
    %swap3A_25 = arith.constant 1 : i32
    %swap3A_26 = arith.index_cast %swap3A_25 : i32 to index
    %swap3A_27 = arith.constant 0 : index
    %swap3A_28 = tpu.vector_load %arg14[%swap3A_26, %swap3A_27] {strides = array<i32>} : memref<64x16xf32, #tpu.memory_space<vmem>>, vector<1x16xf32>,
    %swap3A_29 = vector.shape_cast %swap3A_28 : vector<1x16xf32> to vector<16xf32>
    %swap3A_30 = vector.shape_cast %broadcast_in_dim3A_19 : vector<16xf32> to vector<1x16xf32>
    tpu.vector_store %arg14[%swap3A_26, %swap3A_27], %swap3A_30 {strides = array<i32>} : memref<64x16xf32, #tpu.memory_space<vmem>>, vector<1x16xf32>,
    %swap3A_31 = arith.constant 2 : i32
    %swap3A_32 = arith.index_cast %swap3A_31 : i32 to index
    %swap3A_33 = arith.constant 0 : index
    %swap3A_34 = tpu.vector_load %arg14[%swap3A_32, %swap3A_33] {strides = array<i32>} : memref<64x16xf32, #tpu.memory_space<vmem>>, vector<1x16xf32>,
    %swap3A_35 = vector.shape_cast %swap3A_34 : vector<1x16xf32> to vector<16xf32>
    %swap3A_36 = vector.shape_cast %broadcast_in_dim3A_19 : vector<16xf32> to vector<1x16xf32>
    tpu.vector_store %arg14[%swap3A_32, %swap3A_33], %swap3A_36 {strides = array<i32>} : memref<64x16xf32, #tpu.memory_space<vmem>>, vector<1x16xf32>,
    %swap3A_37 = arith.constant 3 : i32
    %swap3A_38 = arith.index_cast %swap3A_37 : i32 to index
    %swap3A_39 = arith.constant 0 : index
    %swap3A_40 = tpu.vector_load %arg14[%swap3A_38, %swap3A_39] {strides = array<i32>} : memref<64x16xf32, #tpu.memory_space<vmem>>, vector<1x16xf32>,
    %swap3A_41 = vector.shape_cast %swap3A_40 : vector<1x16xf32> to vector<16xf32>
    %swap3A_42 = vector.shape_cast %broadcast_in_dim3A_19 : vector<16xf32> to vector<1x16xf32>
    tpu.vector_store %arg14[%swap3A_38, %swap3A_39], %swap3A_42 {strides = array<i32>} : memref<64x16xf32, #tpu.memory_space<vmem>>, vector<1x16xf32>,
    %swap3A_43 = arith.constant 4 : i32
    %swap3A_44 = arith.index_cast %swap3A_43 : i32 to index
    %swap3A_45 = arith.constant 0 : index
    %swap3A_46 = tpu.vector_load %arg14[%swap3A_44, %swap3A_45] {strides = array<i32>} : memref<64x16xf32, #tpu.memory_space<vmem>>, vector<1x16xf32>,
    %swap3A_47 = vector.shape_cast %swap3A_46 : vector<1x16xf32> to vector<16xf32>
    %swap3A_48 = vector.shape_cast %broadcast_in_dim3A_19 : vector<16xf32> to vector<1x16xf32>
    tpu.vector_store %arg14[%swap3A_44, %swap3A_45], %swap3A_48 {strides = array<i32>} : memref<64x16xf32, #tpu.memory_space<vmem>>, vector<1x16xf32>,
    %swap3A_49 = arith.constant 5 : i32
    %swap3A_50 = arith.index_cast %swap3A_49 : i32 to index
    %swap3A_51 = arith.constant 0 : index
    %swap3A_52 = tpu.vector_load %arg14[%swap3A_50, %swap3A_51] {strides = array<i32>} : memref<64x16xf32, #tpu.memory_space<vmem>>, vector<1x16xf32>,
    %swap3A_53 = vector.shape_cast %swap3A_52 : vector<1x16xf32> to vector<16xf32>
    %swap3A_54 = vector.shape_cast %broadcast_in_dim3A_19 : vector<16xf32> to vector<1x16xf32>
    tpu.vector_store %arg14[%swap3A_50, %swap3A_51], %swap3A_54 {strides = array<i32>} : memref<64x16xf32, #tpu.memory_space<vmem>>, vector<1x16xf32>,
    %swap3A_55 = arith.constant 6 : i32
    %swap3A_56 = arith.index_cast %swap3A_55 : i32 to index
    %swap3A_57 = arith.constant 0 : index
    %swap3A_58 = tpu.vector_load %arg14[%swap3A_56, %swap3A_57] {strides = array<i32>} : memref<64x16xf32, #tpu.memory_space<vmem>>, vector<1x16xf32>,
    %swap3A_59 = vector.shape_cast %swap3A_58 : vector<1x16xf32> to vector<16xf32>
    %swap3A_60 = vector.shape_cast %broadcast_in_dim3A_19 : vector<16xf32> to vector<1x16xf32>
    tpu.vector_store %arg14[%swap3A_56, %swap3A_57], %swap3A_60 {strides = array<i32>} : memref<64x16xf32, #tpu.memory_space<vmem>>, vector<1x16xf32>,
    %swap3A_61 = arith.constant 7 : i32
    %swap3A_62 = arith.index_cast %swap3A_61 : i32 to index
    %swap3A_63 = arith.constant 0 : index
    %swap3A_64 = tpu.vector_load %arg14[%swap3A_62, %swap3A_63] {strides = array<i32>} : memref<64x16xf32, #tpu.memory_space<vmem>>, vector<1x16xf32>,
    %swap3A_65 = vector.shape_cast %swap3A_64 : vector<1x16xf32> to vector<16xf32>
    %swap3A_66 = vector.shape_cast %broadcast_in_dim3A_19 : vector<16xf32> to vector<1x16xf32>
    tpu.vector_store %arg14[%swap3A_62, %swap3A_63], %swap3A_66 {strides = array<i32>} : memref<64x16xf32, #tpu.memory_space<vmem>>, vector<1x16xf32>,
    %swap3A_67 = arith.constant 8 : i32
    %swap3A_68 = arith.index_cast %swap3A_67 : i32 to index
    %swap3A_69 = arith.constant 0 : index
    %swap3A_70 = tpu.vector_load %arg14[%swap3A_68, %swap3A_69] {strides = array<i32>} : memref<64x16xf32, #tpu.memory_space<vmem>>, vector<1x16xf32>,
    %swap3A_71 = vector.shape_cast %swap3A_70 : vector<1x16xf32> to vector<16xf32>
    %swap3A_72 = vector.shape_cast %broadcast_in_dim3A_19 : vector<16xf32> to vector<1x16xf32>
    tpu.vector_store %arg14[%swap3A_68, %swap3A_69], %swap3A_72 {strides = array<i32>} : memref<64x16xf32, #tpu.memory_space<vmem>>, vector<1x16xf32>,
    %swap3A_73 = arith.constant 9 : i32
    %swap3A_74 = arith.index_cast %swap3A_73 : i32 to index
    %swap3A_75 = arith.constant 0 : index
    %swap3A_76 = tpu.vector_load %arg14[%swap3A_74, %swap3A_75] {strides = array<i32>} : memref<64x16xf32, #tpu.memory_space<vmem>>, vector<1x16xf32>,
    %swap3A_77 = vector.shape_cast %swap3A_76 : vector<1x16xf32> to vector<16xf32>
    %swap3A_78 = vector.shape_cast %broadcast_in_dim3A_19 : vector<16xf32> to vector<1x16xf32>
    tpu.vector_store %arg14[%swap3A_74, %swap3A_75], %swap3A_78 {strides = array<i32>} : memref<64x16xf32, #tpu.memory_space<vmem>>, vector<1x16xf32>,
    %swap3A_79 = arith.constant 10 : i32
    %swap3A_80 = arith.index_cast %swap3A_79 : i32 to index
    %swap3A_81 = arith.constant 0 : index
    %swap3A_82 = tpu.vector_load %arg14[%swap3A_80, %swap3A_81] {strides = array<i32>} : memref<64x16xf32, #tpu.memory_space<vmem>>, vector<1x16xf32>,
    %swap3A_83 = vector.shape_cast %swap3A_82 : vector<1x16xf32> to vector<16xf32>
    %swap3A_84 = vector.shape_cast %broadcast_in_dim3A_19 : vector<16xf32> to vector<1x16xf32>
    tpu.vector_store %arg14[%swap3A_80, %swap3A_81], %swap3A_84 {strides = array<i32>} : memref<64x16xf32, #tpu.memory_space<vmem>>, vector<1x16xf32>,
    %swap3A_85 = arith.constant 11 : i32
    %swap3A_86 = arith.index_cast %swap3A_85 : i32 to index
    %swap3A_87 = arith.constant 0 : index
    %swap3A_88 = tpu.vector_load %arg14[%swap3A_86, %swap3A_87] {strides = array<i32>} : memref<64x16xf32, #tpu.memory_space<vmem>>, vector<1x16xf32>,
    %swap3A_89 = vector.shape_cast %swap3A_88 : vector<1x16xf32> to vector<16xf32>
    %swap3A_90 = vector.shape_cast %broadcast_in_dim3A_19 : vector<16xf32> to vector<1x16xf32>
    tpu.vector_store %arg14[%swap3A_86, %swap3A_87], %swap3A_90 {strides = array<i32>} : memref<64x16xf32, #tpu.memory_space<vmem>>, vector<1x16xf32>,
    %swap3A_91 = arith.constant 12 : i32
    %swap3A_92 = arith.index_cast %swap3A_91 : i32 to index
    %swap3A_93 = arith.constant 0 : index
    %swap3A_94 = tpu.vector_load %arg14[%swap3A_92, %swap3A_93] {strides = array<i32>} : memref<64x16xf32, #tpu.memory_space<vmem>>, vector<1x16xf32>,
    %swap3A_95 = vector.shape_cast %swap3A_94 : vector<1x16xf32> to vector<16xf32>
    %swap3A_96 = vector.shape_cast %broadcast_in_dim3A_19 : vector<16xf32> to vector<1x16xf32>
    tpu.vector_store %arg14[%swap3A_92, %swap3A_93], %swap3A_96 {strides = array<i32>} : memref<64x16xf32, #tpu.memory_space<vmem>>, vector<1x16xf32>,
    %swap3A_97 = arith.constant 13 : i32
    %swap3A_98 = arith.index_cast %swap3A_97 : i32 to index
    %swap3A_99 = arith.constant 0 : index
    %swap3A_100 = tpu.vector_load %arg14[%swap3A_98, %swap3A_99] {strides = array<i32>} : memref<64x16xf32, #tpu.memory_space<vmem>>, vector<1x16xf32>,
    %swap3A_101 = vector.shape_cast %swap3A_100 : vector<1x16xf32> to vector<16xf32>
    %swap3A_102 = vector.shape_cast %broadcast_in_dim3A_19 : vector<16xf32> to vector<1x16xf32>
    tpu.vector_store %arg14[%swap3A_98, %swap3A_99], %swap3A_102 {strides = array<i32>} : memref<64x16xf32, #tpu.memory_space<vmem>>, vector<1x16xf32>,
    %swap3A_103 = arith.constant 14 : i32
    %swap3A_104 = arith.index_cast %swap3A_103 : i32 to index
    %swap3A_105 = arith.constant 0 : index
    %swap3A_106 = tpu.vector_load %arg14[%swap3A_104, %swap3A_105] {strides = array<i32>} : memref<64x16xf32, #tpu.memory_space<vmem>>, vector<1x16xf32>,
    %swap3A_107 = vector.shape_cast %swap3A_106 : vector<1x16xf32> to vector<16xf32>
    %swap3A_108 = vector.shape_cast %broadcast_in_dim3A_19 : vector<16xf32> to vector<1x16xf32>
    tpu.vector_store %arg14[%swap3A_104, %swap3A_105], %swap3A_108 {strides = array<i32>} : memref<64x16xf32, #tpu.memory_space<vmem>>, vector<1x16xf32>,
    %swap3A_109 = arith.constant 15 : i32
    %swap3A_110 = arith.index_cast %swap3A_109 : i32 to index
    %swap3A_111 = arith.constant 0 : index
    %swap3A_112 = tpu.vector_load %arg14[%swap3A_110, %swap3A_111] {strides = array<i32>} : memref<64x16xf32, #tpu.memory_space<vmem>>, vector<1x16xf32>,
    %swap3A_113 = vector.shape_cast %swap3A_112 : vector<1x16xf32> to vector<16xf32>
    %swap3A_114 = vector.shape_cast %broadcast_in_dim3A_19 : vector<16xf32> to vector<1x16xf32>
    tpu.vector_store %arg14[%swap3A_110, %swap3A_111], %swap3A_114 {strides = array<i32>} : memref<64x16xf32, #tpu.memory_space<vmem>>, vector<1x16xf32>,
    %swap3A_115 = arith.constant 16 : i32
    %swap3A_116 = arith.index_cast %swap3A_115 : i32 to index
    %swap3A_117 = arith.constant 0 : index
    %swap3A_118 = tpu.vector_load %arg14[%swap3A_116, %swap3A_117] {strides = array<i32>} : memref<64x16xf32, #tpu.memory_space<vmem>>, vector<1x16xf32>,
    %swap3A_119 = vector.shape_cast %swap3A_118 : vector<1x16xf32> to vector<16xf32>
    %swap3A_120 = vector.shape_cast %broadcast_in_dim3A_19 : vector<16xf32> to vector<1x16xf32>
    tpu.vector_store %arg14[%swap3A_116, %swap3A_117], %swap3A_120 {strides = array<i32>} : memref<64x16xf32, #tpu.memory_space<vmem>>, vector<1x16xf32>,
    %swap3A_121 = arith.constant 17 : i32
    %swap3A_122 = arith.index_cast %swap3A_121 : i32 to index
    %swap3A_123 = arith.constant 0 : index
    %swap3A_124 = tpu.vector_load %arg14[%swap3A_122, %swap3A_123] {strides = array<i32>} : memref<64x16xf32, #tpu.memory_space<vmem>>, vector<1x16xf32>,
    %swap3A_125 = vector.shape_cast %swap3A_124 : vector<1x16xf32> to vector<16xf32>
    %swap3A_126 = vector.shape_cast %broadcast_in_dim3A_19 : vector<16xf32> to vector<1x16xf32>
    tpu.vector_store %arg14[%swap3A_122, %swap3A_123], %swap3A_126 {strides = array<i32>} : memref<64x16xf32, #tpu.memory_space<vmem>>, vector<1x16xf32>,
    %swap3A_127 = arith.constant 18 : i32
    %swap3A_128 = arith.index_cast %swap3A_127 : i32 to index
    %swap3A_129 = arith.constant 0 : index
    %swap3A_130 = tpu.vector_load %arg14[%swap3A_128, %swap3A_129] {strides = array<i32>} : memref<64x16xf32, #tpu.memory_space<vmem>>, vector<1x16xf32>,
    %swap3A_131 = vector.shape_cast %swap3A_130 : vector<1x16xf32> to vector<16xf32>
    %swap3A_132 = vector.shape_cast %broadcast_in_dim3A_19 : vector<16xf32> to vector<1x16xf32>
    tpu.vector_store %arg14[%swap3A_128, %swap3A_129], %swap3A_132 {strides = array<i32>} : memref<64x16xf32, #tpu.memory_space<vmem>>, vector<1x16xf32>,
    %swap3A_133 = arith.constant 19 : i32
    %swap3A_134 = arith.index_cast %swap3A_133 : i32 to index
    %swap3A_135 = arith.constant 0 : index
    %swap3A_136 = tpu.vector_load %arg14[%swap3A_134, %swap3A_135] {strides = array<i32>} : memref<64x16xf32, #tpu.memory_space<vmem>>, vector<1x16xf32>,
    %swap3A_137 = vector.shape_cast %swap3A_136 : vector<1x16xf32> to vector<16xf32>
    %swap3A_138 = vector.shape_cast %broadcast_in_dim3A_19 : vector<16xf32> to vector<1x16xf32>
    tpu.vector_store %arg14[%swap3A_134, %swap3A_135], %swap3A_138 {strides = array<i32>} : memref<64x16xf32, #tpu.memory_space<vmem>>, vector<1x16xf32>,
    %swap3A_139 = arith.constant 20 : i32
    %swap3A_140 = arith.index_cast %swap3A_139 : i32 to index
    %swap3A_141 = arith.constant 0 : index
    %swap3A_142 = tpu.vector_load %arg14[%swap3A_140, %swap3A_141] {strides = array<i32>} : memref<64x16xf32, #tpu.memory_space<vmem>>, vector<1x16xf32>,
    %swap3A_143 = vector.shape_cast %swap3A_142 : vector<1x16xf32> to vector<16xf32>
    %swap3A_144 = vector.shape_cast %broadcast_in_dim3A_19 : vector<16xf32> to vector<1x16xf32>
    tpu.vector_store %arg14[%swap3A_140, %swap3A_141], %swap3A_144 {strides = array<i32>} : memref<64x16xf32, #tpu.memory_space<vmem>>, vector<1x16xf32>,
    %swap3A_145 = arith.constant 21 : i32
    %swap3A_146 = arith.index_cast %swap3A_145 : i32 to index
    %swap3A_147 = arith.constant 0 : index
    %swap3A_148 = tpu.vector_load %arg14[%swap3A_146, %swap3A_147] {strides = array<i32>} : memref<64x16xf32, #tpu.memory_space<vmem>>, vector<1x16xf32>,
    %swap3A_149 = vector.shape_cast %swap3A_148 : vector<1x16xf32> to vector<16xf32>
    %swap3A_150 = vector.shape_cast %broadcast_in_dim3A_19 : vector<16xf32> to vector<1x16xf32>
    tpu.vector_store %arg14[%swap3A_146, %swap3A_147], %swap3A_150 {strides = array<i32>} : memref<64x16xf32, #tpu.memory_space<vmem>>, vector<1x16xf32>,
    %swap3A_151 = arith.constant 22 : i32
    %swap3A_152 = arith.index_cast %swap3A_151 : i32 to index
    %swap3A_153 = arith.constant 0 : index
    %swap3A_154 = tpu.vector_load %arg14[%swap3A_152, %swap3A_153] {strides = array<i32>} : memref<64x16xf32, #tpu.memory_space<vmem>>, vector<1x16xf32>,
    %swap3A_155 = vector.shape_cast %swap3A_154 : vector<1x16xf32> to vector<16xf32>
    %swap3A_156 = vector.shape_cast %broadcast_in_dim3A_19 : vector<16xf32> to vector<1x16xf32>
    tpu.vector_store %arg14[%swap3A_152, %swap3A_153], %swap3A_156 {strides = array<i32>} : memref<64x16xf32, #tpu.memory_space<vmem>>, vector<1x16xf32>,
    %swap3A_157 = arith.constant 23 : i32
    %swap3A_158 = arith.index_cast %swap3A_157 : i32 to index
    %swap3A_159 = arith.constant 0 : index
    %swap3A_160 = tpu.vector_load %arg14[%swap3A_158, %swap3A_159] {strides = array<i32>} : memref<64x16xf32, #tpu.memory_space<vmem>>, vector<1x16xf32>,
    %swap3A_161 = vector.shape_cast %swap3A_160 : vector<1x16xf32> to vector<16xf32>
    %swap3A_162 = vector.shape_cast %broadcast_in_dim3A_19 : vector<16xf32> to vector<1x16xf32>
    tpu.vector_store %arg14[%swap3A_158, %swap3A_159], %swap3A_162 {strides = array<i32>} : memref<64x16xf32, #tpu.memory_space<vmem>>, vector<1x16xf32>,
    %swap3A_163 = arith.constant 24 : i32
    %swap3A_164 = arith.index_cast %swap3A_163 : i32 to index
    %swap3A_165 = arith.constant 0 : index
    %swap3A_166 = tpu.vector_load %arg14[%swap3A_164, %swap3A_165] {strides = array<i32>} : memref<64x16xf32, #tpu.memory_space<vmem>>, vector<1x16xf32>,
    %swap3A_167 = vector.shape_cast %swap3A_166 : vector<1x16xf32> to vector<16xf32>
    %swap3A_168 = vector.shape_cast %broadcast_in_dim3A_19 : vector<16xf32> to vector<1x16xf32>
    tpu.vector_store %arg14[%swap3A_164, %swap3A_165], %swap3A_168 {strides = array<i32>} : memref<64x16xf32, #tpu.memory_space<vmem>>, vector<1x16xf32>,
    %swap3A_169 = arith.constant 25 : i32
    %swap3A_170 = arith.index_cast %swap3A_169 : i32 to index
    %swap3A_171 = arith.constant 0 : index
    %swap3A_172 = tpu.vector_load %arg14[%swap3A_170, %swap3A_171] {strides = array<i32>} : memref<64x16xf32, #tpu.memory_space<vmem>>, vector<1x16xf32>,
    %swap3A_173 = vector.shape_cast %swap3A_172 : vector<1x16xf32> to vector<16xf32>
    %swap3A_174 = vector.shape_cast %broadcast_in_dim3A_19 : vector<16xf32> to vector<1x16xf32>
    tpu.vector_store %arg14[%swap3A_170, %swap3A_171], %swap3A_174 {strides = array<i32>} : memref<64x16xf32, #tpu.memory_space<vmem>>, vector<1x16xf32>,
    %swap3A_175 = arith.constant 26 : i32
    %swap3A_176 = arith.index_cast %swap3A_175 : i32 to index
    %swap3A_177 = arith.constant 0 : index
    %swap3A_178 = tpu.vector_load %arg14[%swap3A_176, %swap3A_177] {strides = array<i32>} : memref<64x16xf32, #tpu.memory_space<vmem>>, vector<1x16xf32>,
    %swap3A_179 = vector.shape_cast %swap3A_178 : vector<1x16xf32> to vector<16xf32>
    %swap3A_180 = vector.shape_cast %broadcast_in_dim3A_19 : vector<16xf32> to vector<1x16xf32>
    tpu.vector_store %arg14[%swap3A_176, %swap3A_177], %swap3A_180 {strides = array<i32>} : memref<64x16xf32, #tpu.memory_space<vmem>>, vector<1x16xf32>,
    %swap3A_181 = arith.constant 27 : i32
    %swap3A_182 = arith.index_cast %swap3A_181 : i32 to index
    %swap3A_183 = arith.constant 0 : index
    %swap3A_184 = tpu.vector_load %arg14[%swap3A_182, %swap3A_183] {strides = array<i32>} : memref<64x16xf32, #tpu.memory_space<vmem>>, vector<1x16xf32>,
    %swap3A_185 = vector.shape_cast %swap3A_184 : vector<1x16xf32> to vector<16xf32>
    %swap3A_186 = vector.shape_cast %broadcast_in_dim3A_19 : vector<16xf32> to vector<1x16xf32>
    tpu.vector_store %arg14[%swap3A_182, %swap3A_183], %swap3A_186 {strides = array<i32>} : memref<64x16xf32, #tpu.memory_space<vmem>>, vector<1x16xf32>,
    %swap3A_187 = arith.constant 28 : i32
    %swap3A_188 = arith.index_cast %swap3A_187 : i32 to index
    %swap3A_189 = arith.constant 0 : index
    %swap3A_190 = tpu.vector_load %arg14[%swap3A_188, %swap3A_189] {strides = array<i32>} : memref<64x16xf32, #tpu.memory_space<vmem>>, vector<1x16xf32>,
    %swap3A_191 = vector.shape_cast %swap3A_190 : vector<1x16xf32> to vector<16xf32>
    %swap3A_192 = vector.shape_cast %broadcast_in_dim3A_19 : vector<16xf32> to vector<1x16xf32>
    tpu.vector_store %arg14[%swap3A_188, %swap3A_189], %swap3A_192 {strides = array<i32>} : memref<64x16xf32, #tpu.memory_space<vmem>>, vector<1x16xf32>,
    %swap3A_193 = arith.constant 29 : i32
    %swap3A_194 = arith.index_cast %swap3A_193 : i32 to index
    %swap3A_195 = arith.constant 0 : index
    %swap3A_196 = tpu.vector_load %arg14[%swap3A_194, %swap3A_195] {strides = array<i32>} : memref<64x16xf32, #tpu.memory_space<vmem>>, vector<1x16xf32>,
    %swap3A_197 = vector.shape_cast %swap3A_196 : vector<1x16xf32> to vector<16xf32>
    %swap3A_198 = vector.shape_cast %broadcast_in_dim3A_19 : vector<16xf32> to vector<1x16xf32>
    tpu.vector_store %arg14[%swap3A_194, %swap3A_195], %swap3A_198 {strides = array<i32>} : memref<64x16xf32, #tpu.memory_space<vmem>>, vector<1x16xf32>,
    %swap3A_199 = arith.constant 30 : i32
    %swap3A_200 = arith.index_cast %swap3A_199 : i32 to index
    %swap3A_201 = arith.constant 0 : index
    %swap3A_202 = tpu.vector_load %arg14[%swap3A_200, %swap3A_201] {strides = array<i32>} : memref<64x16xf32, #tpu.memory_space<vmem>>, vector<1x16xf32>,
    %swap3A_203 = vector.shape_cast %swap3A_202 : vector<1x16xf32> to vector<16xf32>
    %swap3A_204 = vector.shape_cast %broadcast_in_dim3A_19 : vector<16xf32> to vector<1x16xf32>
    tpu.vector_store %arg14[%swap3A_200, %swap3A_201], %swap3A_204 {strides = array<i32>} : memref<64x16xf32, #tpu.memory_space<vmem>>, vector<1x16xf32>,
    %swap3A_205 = arith.constant 31 : i32
    %swap3A_206 = arith.index_cast %swap3A_205 : i32 to index
    %swap3A_207 = arith.constant 0 : index
    %swap3A_208 = tpu.vector_load %arg14[%swap3A_206, %swap3A_207] {strides = array<i32>} : memref<64x16xf32, #tpu.memory_space<vmem>>, vector<1x16xf32>,
    %swap3A_209 = vector.shape_cast %swap3A_208 : vector<1x16xf32> to vector<16xf32>
    %swap3A_210 = vector.shape_cast %broadcast_in_dim3A_19 : vector<16xf32> to vector<1x16xf32>
    tpu.vector_store %arg14[%swap3A_206, %swap3A_207], %swap3A_210 {strides = array<i32>} : memref<64x16xf32, #tpu.memory_space<vmem>>, vector<1x16xf32>,
    %swap3A_211 = arith.constant 32 : i32
    %swap3A_212 = arith.index_cast %swap3A_211 : i32 to index
    %swap3A_213 = arith.constant 0 : index
    %swap3A_214 = tpu.vector_load %arg14[%swap3A_212, %swap3A_213] {strides = array<i32>} : memref<64x16xf32, #tpu.memory_space<vmem>>, vector<1x16xf32>,
    %swap3A_215 = vector.shape_cast %swap3A_214 : vector<1x16xf32> to vector<16xf32>
    %swap3A_216 = vector.shape_cast %broadcast_in_dim3A_19 : vector<16xf32> to vector<1x16xf32>
    tpu.vector_store %arg14[%swap3A_212, %swap3A_213], %swap3A_216 {strides = array<i32>} : memref<64x16xf32, #tpu.memory_space<vmem>>, vector<1x16xf32>,
    %swap3A_217 = arith.constant 33 : i32
    %swap3A_218 = arith.index_cast %swap3A_217 : i32 to index
    %swap3A_219 = arith.constant 0 : index
    %swap3A_220 = tpu.vector_load %arg14[%swap3A_218, %swap3A_219] {strides = array<i32>} : memref<64x16xf32, #tpu.memory_space<vmem>>, vector<1x16xf32>,
    %swap3A_221 = vector.shape_cast %swap3A_220 : vector<1x16xf32> to vector<16xf32>
    %swap3A_222 = vector.shape_cast %broadcast_in_dim3A_19 : vector<16xf32> to vector<1x16xf32>
    tpu.vector_store %arg14[%swap3A_218, %swap3A_219], %swap3A_222 {strides = array<i32>} : memref<64x16xf32, #tpu.memory_space<vmem>>, vector<1x16xf32>,
    %swap3A_223 = arith.constant 34 : i32
    %swap3A_224 = arith.index_cast %swap3A_223 : i32 to index
    %swap3A_225 = arith.constant 0 : index
    %swap3A_226 = tpu.vector_load %arg14[%swap3A_224, %swap3A_225] {strides = array<i32>} : memref<64x16xf32, #tpu.memory_space<vmem>>, vector<1x16xf32>,
    %swap3A_227 = vector.shape_cast %swap3A_226 : vector<1x16xf32> to vector<16xf32>
    %swap3A_228 = vector.shape_cast %broadcast_in_dim3A_19 : vector<16xf32> to vector<1x16xf32>
    tpu.vector_store %arg14[%swap3A_224, %swap3A_225], %swap3A_228 {strides = array<i32>} : memref<64x16xf32, #tpu.memory_space<vmem>>, vector<1x16xf32>,
    %swap3A_229 = arith.constant 35 : i32
    %swap3A_230 = arith.index_cast %swap3A_229 : i32 to index
    %swap3A_231 = arith.constant 0 : index
    %swap3A_232 = tpu.vector_load %arg14[%swap3A_230, %swap3A_231] {strides = array<i32>} : memref<64x16xf32, #tpu.memory_space<vmem>>, vector<1x16xf32>,
    %swap3A_233 = vector.shape_cast %swap3A_232 : vector<1x16xf32> to vector<16xf32>
    %swap3A_234 = vector.shape_cast %broadcast_in_dim3A_19 : vector<16xf32> to vector<1x16xf32>
    tpu.vector_store %arg14[%swap3A_230, %swap3A_231], %swap3A_234 {strides = array<i32>} : memref<64x16xf32, #tpu.memory_space<vmem>>, vector<1x16xf32>,
    %swap3A_235 = arith.constant 36 : i32
    %swap3A_236 = arith.index_cast %swap3A_235 : i32 to index
    %swap3A_237 = arith.constant 0 : index
    %swap3A_238 = tpu.vector_load %arg14[%swap3A_236, %swap3A_237] {strides = array<i32>} : memref<64x16xf32, #tpu.memory_space<vmem>>, vector<1x16xf32>,
    %swap3A_239 = vector.shape_cast %swap3A_238 : vector<1x16xf32> to vector<16xf32>
    %swap3A_240 = vector.shape_cast %broadcast_in_dim3A_19 : vector<16xf32> to vector<1x16xf32>
    tpu.vector_store %arg14[%swap3A_236, %swap3A_237], %swap3A_240 {strides = array<i32>} : memref<64x16xf32, #tpu.memory_space<vmem>>, vector<1x16xf32>,
    %swap3A_241 = arith.constant 37 : i32
    %swap3A_242 = arith.index_cast %swap3A_241 : i32 to index
    %swap3A_243 = arith.constant 0 : index
    %swap3A_244 = tpu.vector_load %arg14[%swap3A_242, %swap3A_243] {strides = array<i32>} : memref<64x16xf32, #tpu.memory_space<vmem>>, vector<1x16xf32>,
    %swap3A_245 = vector.shape_cast %swap3A_244 : vector<1x16xf32> to vector<16xf32>
    %swap3A_246 = vector.shape_cast %broadcast_in_dim3A_19 : vector<16xf32> to vector<1x16xf32>
    tpu.vector_store %arg14[%swap3A_242, %swap3A_243], %swap3A_246 {strides = array<i32>} : memref<64x16xf32, #tpu.memory_space<vmem>>, vector<1x16xf32>,
    %swap3A_247 = arith.constant 38 : i32
    %swap3A_248 = arith.index_cast %swap3A_247 : i32 to index
    %swap3A_249 = arith.constant 0 : index
    %swap3A_250 = tpu.vector_load %arg14[%swap3A_248, %swap3A_249] {strides = array<i32>} : memref<64x16xf32, #tpu.memory_space<vmem>>, vector<1x16xf32>,
    %swap3A_251 = vector.shape_cast %swap3A_250 : vector<1x16xf32> to vector<16xf32>
    %swap3A_252 = vector.shape_cast %broadcast_in_dim3A_19 : vector<16xf32> to vector<1x16xf32>
    tpu.vector_store %arg14[%swap3A_248, %swap3A_249], %swap3A_252 {strides = array<i32>} : memref<64x16xf32, #tpu.memory_space<vmem>>, vector<1x16xf32>,
    %swap3A_253 = arith.constant 39 : i32
    %swap3A_254 = arith.index_cast %swap3A_253 : i32 to index
    %swap3A_255 = arith.constant 0 : index
    %swap3A_256 = tpu.vector_load %arg14[%swap3A_254, %swap3A_255] {strides = array<i32>} : memref<64x16xf32, #tpu.memory_space<vmem>>, vector<1x16xf32>,
    %swap3A_257 = vector.shape_cast %swap3A_256 : vector<1x16xf32> to vector<16xf32>
    %swap3A_258 = vector.shape_cast %broadcast_in_dim3A_19 : vector<16xf32> to vector<1x16xf32>
    tpu.vector_store %arg14[%swap3A_254, %swap3A_255], %swap3A_258 {strides = array<i32>} : memref<64x16xf32, #tpu.memory_space<vmem>>, vector<1x16xf32>,
    %swap3A_259 = arith.constant 40 : i32
    %swap3A_260 = arith.index_cast %swap3A_259 : i32 to index
    %swap3A_261 = arith.constant 0 : index
    %swap3A_262 = tpu.vector_load %arg14[%swap3A_260, %swap3A_261] {strides = array<i32>} : memref<64x16xf32, #tpu.memory_space<vmem>>, vector<1x16xf32>,
    %swap3A_263 = vector.shape_cast %swap3A_262 : vector<1x16xf32> to vector<16xf32>
    %swap3A_264 = vector.shape_cast %broadcast_in_dim3A_19 : vector<16xf32> to vector<1x16xf32>
    tpu.vector_store %arg14[%swap3A_260, %swap3A_261], %swap3A_264 {strides = array<i32>} : memref<64x16xf32, #tpu.memory_space<vmem>>, vector<1x16xf32>,
    %swap3A_265 = arith.constant 41 : i32
    %swap3A_266 = arith.index_cast %swap3A_265 : i32 to index
    %swap3A_267 = arith.constant 0 : index
    %swap3A_268 = tpu.vector_load %arg14[%swap3A_266, %swap3A_267] {strides = array<i32>} : memref<64x16xf32, #tpu.memory_space<vmem>>, vector<1x16xf32>,
    %swap3A_269 = vector.shape_cast %swap3A_268 : vector<1x16xf32> to vector<16xf32>
    %swap3A_270 = vector.shape_cast %broadcast_in_dim3A_19 : vector<16xf32> to vector<1x16xf32>
    tpu.vector_store %arg14[%swap3A_266, %swap3A_267], %swap3A_270 {strides = array<i32>} : memref<64x16xf32, #tpu.memory_space<vmem>>, vector<1x16xf32>,
    %swap3A_271 = arith.constant 42 : i32
    %swap3A_272 = arith.index_cast %swap3A_271 : i32 to index
    %swap3A_273 = arith.constant 0 : index
    %swap3A_274 = tpu.vector_load %arg14[%swap3A_272, %swap3A_273] {strides = array<i32>} : memref<64x16xf32, #tpu.memory_space<vmem>>, vector<1x16xf32>,
    %swap3A_275 = vector.shape_cast %swap3A_274 : vector<1x16xf32> to vector<16xf32>
    %swap3A_276 = vector.shape_cast %broadcast_in_dim3A_19 : vector<16xf32> to vector<1x16xf32>
    tpu.vector_store %arg14[%swap3A_272, %swap3A_273], %swap3A_276 {strides = array<i32>} : memref<64x16xf32, #tpu.memory_space<vmem>>, vector<1x16xf32>,
    %swap3A_277 = arith.constant 43 : i32
    %swap3A_278 = arith.index_cast %swap3A_277 : i32 to index
    %swap3A_279 = arith.constant 0 : index
    %swap3A_280 = tpu.vector_load %arg14[%swap3A_278, %swap3A_279] {strides = array<i32>} : memref<64x16xf32, #tpu.memory_space<vmem>>, vector<1x16xf32>,
    %swap3A_281 = vector.shape_cast %swap3A_280 : vector<1x16xf32> to vector<16xf32>
    %swap3A_282 = vector.shape_cast %broadcast_in_dim3A_19 : vector<16xf32> to vector<1x16xf32>
    tpu.vector_store %arg14[%swap3A_278, %swap3A_279], %swap3A_282 {strides = array<i32>} : memref<64x16xf32, #tpu.memory_space<vmem>>, vector<1x16xf32>,
    %swap3A_283 = arith.constant 44 : i32
    %swap3A_284 = arith.index_cast %swap3A_283 : i32 to index
    %swap3A_285 = arith.constant 0 : index
    %swap3A_286 = tpu.vector_load %arg14[%swap3A_284, %swap3A_285] {strides = array<i32>} : memref<64x16xf32, #tpu.memory_space<vmem>>, vector<1x16xf32>,
    %swap3A_287 = vector.shape_cast %swap3A_286 : vector<1x16xf32> to vector<16xf32>
    %swap3A_288 = vector.shape_cast %broadcast_in_dim3A_19 : vector<16xf32> to vector<1x16xf32>
    tpu.vector_store %arg14[%swap3A_284, %swap3A_285], %swap3A_288 {strides = array<i32>} : memref<64x16xf32, #tpu.memory_space<vmem>>, vector<1x16xf32>,
    %swap3A_289 = arith.constant 45 : i32
    %swap3A_290 = arith.index_cast %swap3A_289 : i32 to index
    %swap3A_291 = arith.constant 0 : index
    %swap3A_292 = tpu.vector_load %arg14[%swap3A_290, %swap3A_291] {strides = array<i32>} : memref<64x16xf32, #tpu.memory_space<vmem>>, vector<1x16xf32>,
    %swap3A_293 = vector.shape_cast %swap3A_292 : vector<1x16xf32> to vector<16xf32>
    %swap3A_294 = vector.shape_cast %broadcast_in_dim3A_19 : vector<16xf32> to vector<1x16xf32>
    tpu.vector_store %arg14[%swap3A_290, %swap3A_291], %swap3A_294 {strides = array<i32>} : memref<64x16xf32, #tpu.memory_space<vmem>>, vector<1x16xf32>,
    %swap3A_295 = arith.constant 46 : i32
    %swap3A_296 = arith.index_cast %swap3A_295 : i32 to index
    %swap3A_297 = arith.constant 0 : index
    %swap3A_298 = tpu.vector_load %arg14[%swap3A_296, %swap3A_297] {strides = array<i32>} : memref<64x16xf32, #tpu.memory_space<vmem>>, vector<1x16xf32>,
    %swap3A_299 = vector.shape_cast %swap3A_298 : vector<1x16xf32> to vector<16xf32>
    %swap3A_300 = vector.shape_cast %broadcast_in_dim3A_19 : vector<16xf32> to vector<1x16xf32>
    tpu.vector_store %arg14[%swap3A_296, %swap3A_297], %swap3A_300 {strides = array<i32>} : memref<64x16xf32, #tpu.memory_space<vmem>>, vector<1x16xf32>,
    %swap3A_301 = arith.constant 47 : i32
    %swap3A_302 = arith.index_cast %swap3A_301 : i32 to index
    %swap3A_303 = arith.constant 0 : index
    %swap3A_304 = tpu.vector_load %arg14[%swap3A_302, %swap3A_303] {strides = array<i32>} : memref<64x16xf32, #tpu.memory_space<vmem>>, vector<1x16xf32>,
    %swap3A_305 = vector.shape_cast %swap3A_304 : vector<1x16xf32> to vector<16xf32>
    %swap3A_306 = vector.shape_cast %broadcast_in_dim3A_19 : vector<16xf32> to vector<1x16xf32>
    tpu.vector_store %arg14[%swap3A_302, %swap3A_303], %swap3A_306 {strides = array<i32>} : memref<64x16xf32, #tpu.memory_space<vmem>>, vector<1x16xf32>,
    %swap3A_307 = arith.constant 48 : i32
    %swap3A_308 = arith.index_cast %swap3A_307 : i32 to index
    %swap3A_309 = arith.constant 0 : index
    %swap3A_310 = tpu.vector_load %arg14[%swap3A_308, %swap3A_309] {strides = array<i32>} : memref<64x16xf32, #tpu.memory_space<vmem>>, vector<1x16xf32>,
    %swap3A_311 = vector.shape_cast %swap3A_310 : vector<1x16xf32> to vector<16xf32>
    %swap3A_312 = vector.shape_cast %broadcast_in_dim3A_19 : vector<16xf32> to vector<1x16xf32>
    tpu.vector_store %arg14[%swap3A_308, %swap3A_309], %swap3A_312 {strides = array<i32>} : memref<64x16xf32, #tpu.memory_space<vmem>>, vector<1x16xf32>,
    %swap3A_313 = arith.constant 49 : i32
    %swap3A_314 = arith.index_cast %swap3A_313 : i32 to index
    %swap3A_315 = arith.constant 0 : index
    %swap3A_316 = tpu.vector_load %arg14[%swap3A_314, %swap3A_315] {strides = array<i32>} : memref<64x16xf32, #tpu.memory_space<vmem>>, vector<1x16xf32>,
    %swap3A_317 = vector.shape_cast %swap3A_316 : vector<1x16xf32> to vector<16xf32>
    %swap3A_318 = vector.shape_cast %broadcast_in_dim3A_19 : vector<16xf32> to vector<1x16xf32>
    tpu.vector_store %arg14[%swap3A_314, %swap3A_315], %swap3A_318 {strides = array<i32>} : memref<64x16xf32, #tpu.memory_space<vmem>>, vector<1x16xf32>,
    %swap3A_319 = arith.constant 50 : i32
    %swap3A_320 = arith.index_cast %swap3A_319 : i32 to index
    %swap3A_321 = arith.constant 0 : index
    %swap3A_322 = tpu.vector_load %arg14[%swap3A_320, %swap3A_321] {strides = array<i32>} : memref<64x16xf32, #tpu.memory_space<vmem>>, vector<1x16xf32>,
    %swap3A_323 = vector.shape_cast %swap3A_322 : vector<1x16xf32> to vector<16xf32>
    %swap3A_324 = vector.shape_cast %broadcast_in_dim3A_19 : vector<16xf32> to vector<1x16xf32>
    tpu.vector_store %arg14[%swap3A_320, %swap3A_321], %swap3A_324 {strides = array<i32>} : memref<64x16xf32, #tpu.memory_space<vmem>>, vector<1x16xf32>,
    %swap3A_325 = arith.constant 51 : i32
    %swap3A_326 = arith.index_cast %swap3A_325 : i32 to index
    %swap3A_327 = arith.constant 0 : index
    %swap3A_328 = tpu.vector_load %arg14[%swap3A_326, %swap3A_327] {strides = array<i32>} : memref<64x16xf32, #tpu.memory_space<vmem>>, vector<1x16xf32>,
    %swap3A_329 = vector.shape_cast %swap3A_328 : vector<1x16xf32> to vector<16xf32>
    %swap3A_330 = vector.shape_cast %broadcast_in_dim3A_19 : vector<16xf32> to vector<1x16xf32>
    tpu.vector_store %arg14[%swap3A_326, %swap3A_327], %swap3A_330 {strides = array<i32>} : memref<64x16xf32, #tpu.memory_space<vmem>>, vector<1x16xf32>,
    %swap3A_331 = arith.constant 52 : i32
    %swap3A_332 = arith.index_cast %swap3A_331 : i32 to index
    %swap3A_333 = arith.constant 0 : index
    %swap3A_334 = tpu.vector_load %arg14[%swap3A_332, %swap3A_333] {strides = array<i32>} : memref<64x16xf32, #tpu.memory_space<vmem>>, vector<1x16xf32>,
    %swap3A_335 = vector.shape_cast %swap3A_334 : vector<1x16xf32> to vector<16xf32>
    %swap3A_336 = vector.shape_cast %broadcast_in_dim3A_19 : vector<16xf32> to vector<1x16xf32>
    tpu.vector_store %arg14[%swap3A_332, %swap3A_333], %swap3A_336 {strides = array<i32>} : memref<64x16xf32, #tpu.memory_space<vmem>>, vector<1x16xf32>,
    %swap3A_337 = arith.constant 53 : i32
    %swap3A_338 = arith.index_cast %swap3A_337 : i32 to index
    %swap3A_339 = arith.constant 0 : index
    %swap3A_340 = tpu.vector_load %arg14[%swap3A_338, %swap3A_339] {strides = array<i32>} : memref<64x16xf32, #tpu.memory_space<vmem>>, vector<1x16xf32>,
    %swap3A_341 = vector.shape_cast %swap3A_340 : vector<1x16xf32> to vector<16xf32>
    %swap3A_342 = vector.shape_cast %broadcast_in_dim3A_19 : vector<16xf32> to vector<1x16xf32>
    tpu.vector_store %arg14[%swap3A_338, %swap3A_339], %swap3A_342 {strides = array<i32>} : memref<64x16xf32, #tpu.memory_space<vmem>>, vector<1x16xf32>,
    %swap3A_343 = arith.constant 54 : i32
    %swap3A_344 = arith.index_cast %swap3A_343 : i32 to index
    %swap3A_345 = arith.constant 0 : index
    %swap3A_346 = tpu.vector_load %arg14[%swap3A_344, %swap3A_345] {strides = array<i32>} : memref<64x16xf32, #tpu.memory_space<vmem>>, vector<1x16xf32>,
    %swap3A_347 = vector.shape_cast %swap3A_346 : vector<1x16xf32> to vector<16xf32>
    %swap3A_348 = vector.shape_cast %broadcast_in_dim3A_19 : vector<16xf32> to vector<1x16xf32>
    tpu.vector_store %arg14[%swap3A_344, %swap3A_345], %swap3A_348 {strides = array<i32>} : memref<64x16xf32, #tpu.memory_space<vmem>>, vector<1x16xf32>,
    %swap3A_349 = arith.constant 55 : i32
    %swap3A_350 = arith.index_cast %swap3A_349 : i32 to index
    %swap3A_351 = arith.constant 0 : index
    %swap3A_352 = tpu.vector_load %arg14[%swap3A_350, %swap3A_351] {strides = array<i32>} : memref<64x16xf32, #tpu.memory_space<vmem>>, vector<1x16xf32>,
    %swap3A_353 = vector.shape_cast %swap3A_352 : vector<1x16xf32> to vector<16xf32>
    %swap3A_354 = vector.shape_cast %broadcast_in_dim3A_19 : vector<16xf32> to vector<1x16xf32>
    tpu.vector_store %arg14[%swap3A_350, %swap3A_351], %swap3A_354 {strides = array<i32>} : memref<64x16xf32, #tpu.memory_space<vmem>>, vector<1x16xf32>,
    %swap3A_355 = arith.constant 56 : i32
    %swap3A_356 = arith.index_cast %swap3A_355 : i32 to index
    %swap3A_357 = arith.constant 0 : index
    %swap3A_358 = tpu.vector_load %arg14[%swap3A_356, %swap3A_357] {strides = array<i32>} : memref<64x16xf32, #tpu.memory_space<vmem>>, vector<1x16xf32>,
    %swap3A_359 = vector.shape_cast %swap3A_358 : vector<1x16xf32> to vector<16xf32>
    %swap3A_360 = vector.shape_cast %broadcast_in_dim3A_19 : vector<16xf32> to vector<1x16xf32>
    tpu.vector_store %arg14[%swap3A_356, %swap3A_357], %swap3A_360 {strides = array<i32>} : memref<64x16xf32, #tpu.memory_space<vmem>>, vector<1x16xf32>,
    %swap3A_361 = arith.constant 57 : i32
    %swap3A_362 = arith.index_cast %swap3A_361 : i32 to index
    %swap3A_363 = arith.constant 0 : index
    %swap3A_364 = tpu.vector_load %arg14[%swap3A_362, %swap3A_363] {strides = array<i32>} : memref<64x16xf32, #tpu.memory_space<vmem>>, vector<1x16xf32>,
    %swap3A_365 = vector.shape_cast %swap3A_364 : vector<1x16xf32> to vector<16xf32>
    %swap3A_366 = vector.shape_cast %broadcast_in_dim3A_19 : vector<16xf32> to vector<1x16xf32>
    tpu.vector_store %arg14[%swap3A_362, %swap3A_363], %swap3A_366 {strides = array<i32>} : memref<64x16xf32, #tpu.memory_space<vmem>>, vector<1x16xf32>,
    %swap3A_367 = arith.constant 58 : i32
    %swap3A_368 = arith.index_cast %swap3A_367 : i32 to index
    %swap3A_369 = arith.constant 0 : index
    %swap3A_370 = tpu.vector_load %arg14[%swap3A_368, %swap3A_369] {strides = array<i32>} : memref<64x16xf32, #tpu.memory_space<vmem>>, vector<1x16xf32>,
    %swap3A_371 = vector.shape_cast %swap3A_370 : vector<1x16xf32> to vector<16xf32>
    %swap3A_372 = vector.shape_cast %broadcast_in_dim3A_19 : vector<16xf32> to vector<1x16xf32>
    tpu.vector_store %arg14[%swap3A_368, %swap3A_369], %swap3A_372 {strides = array<i32>} : memref<64x16xf32, #tpu.memory_space<vmem>>, vector<1x16xf32>,
    %swap3A_373 = arith.constant 59 : i32
    %swap3A_374 = arith.index_cast %swap3A_373 : i32 to index
    %swap3A_375 = arith.constant 0 : index
    %swap3A_376 = tpu.vector_load %arg14[%swap3A_374, %swap3A_375] {strides = array<i32>} : memref<64x16xf32, #tpu.memory_space<vmem>>, vector<1x16xf32>,
    %swap3A_377 = vector.shape_cast %swap3A_376 : vector<1x16xf32> to vector<16xf32>
    %swap3A_378 = vector.shape_cast %broadcast_in_dim3A_19 : vector<16xf32> to vector<1x16xf32>
    tpu.vector_store %arg14[%swap3A_374, %swap3A_375], %swap3A_378 {strides = array<i32>} : memref<64x16xf32, #tpu.memory_space<vmem>>, vector<1x16xf32>,
    %swap3A_379 = arith.constant 60 : i32
    %swap3A_380 = arith.index_cast %swap3A_379 : i32 to index
    %swap3A_381 = arith.constant 0 : index
    %swap3A_382 = tpu.vector_load %arg14[%swap3A_380, %swap3A_381] {strides = array<i32>} : memref<64x16xf32, #tpu.memory_space<vmem>>, vector<1x16xf32>,
    %swap3A_383 = vector.shape_cast %swap3A_382 : vector<1x16xf32> to vector<16xf32>
    %swap3A_384 = vector.shape_cast %broadcast_in_dim3A_19 : vector<16xf32> to vector<1x16xf32>
    tpu.vector_store %arg14[%swap3A_380, %swap3A_381], %swap3A_384 {strides = array<i32>} : memref<64x16xf32, #tpu.memory_space<vmem>>, vector<1x16xf32>,
    %swap3A_385 = arith.constant 61 : i32
    %swap3A_386 = arith.index_cast %swap3A_385 : i32 to index
    %swap3A_387 = arith.constant 0 : index
    %swap3A_388 = tpu.vector_load %arg14[%swap3A_386, %swap3A_387] {strides = array<i32>} : memref<64x16xf32, #tpu.memory_space<vmem>>, vector<1x16xf32>,
    %swap3A_389 = vector.shape_cast %swap3A_388 : vector<1x16xf32> to vector<16xf32>
    %swap3A_390 = vector.shape_cast %broadcast_in_dim3A_19 : vector<16xf32> to vector<1x16xf32>
    tpu.vector_store %arg14[%swap3A_386, %swap3A_387], %swap3A_390 {strides = array<i32>} : memref<64x16xf32, #tpu.memory_space<vmem>>, vector<1x16xf32>,
    %swap3A_391 = arith.constant 62 : i32
    %swap3A_392 = arith.index_cast %swap3A_391 : i32 to index
    %swap3A_393 = arith.constant 0 : index
    %swap3A_394 = tpu.vector_load %arg14[%swap3A_392, %swap3A_393] {strides = array<i32>} : memref<64x16xf32, #tpu.memory_space<vmem>>, vector<1x16xf32>,
    %swap3A_395 = vector.shape_cast %swap3A_394 : vector<1x16xf32> to vector<16xf32>
    %swap3A_396 = vector.shape_cast %broadcast_in_dim3A_19 : vector<16xf32> to vector<1x16xf32>
    tpu.vector_store %arg14[%swap3A_392, %swap3A_393], %swap3A_396 {strides = array<i32>} : memref<64x16xf32, #tpu.memory_space<vmem>>, vector<1x16xf32>,
    %swap3A_397 = arith.constant 63 : i32
    %swap3A_398 = arith.index_cast %swap3A_397 : i32 to index
    %swap3A_399 = arith.constant 0 : index
    %swap3A_400 = tpu.vector_load %arg14[%swap3A_398, %swap3A_399] {strides = array<i32>} : memref<64x16xf32, #tpu.memory_space<vmem>>, vector<1x16xf32>,
    %swap3A_401 = vector.shape_cast %swap3A_400 : vector<1x16xf32> to vector<16xf32>
    %swap3A_402 = vector.shape_cast %broadcast_in_dim3A_19 : vector<16xf32> to vector<1x16xf32>
    tpu.vector_store %arg14[%swap3A_398, %swap3A_399], %swap3A_402 {strides = array<i32>} : memref<64x16xf32, #tpu.memory_space<vmem>>, vector<1x16xf32>,
    %barrier3A = arith.constant 0 : index
    tpu.barrier barrier_id(%barrier3A)
    %scan3A_403 = arith.constant 0 : i32
    %scan3A_404 = arith.constant 10 : i32
    %scan3A_405 = arith.addi %scan3A_403, %scan3A_404 : i32
    %scan3A_406 = arith.constant 1 : i32
    scf.for %scan3A_414 = %scan3A_403 to %scan3A_405 step %scan3A_406  : i32 {
      %mul3A_415 = arith.constant 16 : i32
      %mul3A_416 = arith.muli %scan3A_414, %mul3A_415 : i32
      "tpu.region"() ({
        %run_scoped3A = tpu.sem_alloc : memref<!tpu.dma_semaphore, #tpu.memory_space<semaphore_mem>>
        %dma_start3A = arith.constant 0 : i32
        %dma_start3A_426 = tpu.memref_slice %arg4[%add3A, %mul3A_416, %dma_start3A] : memref<32x160x64xi32, #tpu.memory_space<hbm>> -> memref<1x16x64xi32, #tpu.memory_space<hbm>>
        %dma_start3A_427 = tpu.memref_squeeze %dma_start3A_426 : memref<1x16x64xi32, #tpu.memory_space<hbm>> -> memref<16x64xi32, #tpu.memory_space<hbm>>
        %dma_start3A_428 = arith.constant 0 : i32
        %dma_start3A_429 = tpu.memref_slice %arg4[%add3A, %mul3A_416, %dma_start3A_428] : memref<32x160x64xi32, #tpu.memory_space<hbm>> -> memref<1x16x64xi32, #tpu.memory_space<hbm>>
        %dma_start3A_430 = tpu.memref_squeeze %dma_start3A_429 : memref<1x16x64xi32, #tpu.memory_space<hbm>> -> memref<16x64xi32, #tpu.memory_space<hbm>>
        tpu.enqueue_dma source(%dma_start3A_430 : memref<16x64xi32, #tpu.memory_space<hbm>>) target(%arg9 : memref<16x64xi32, #tpu.memory_space<vmem>>) target_semaphore(%run_scoped3A : memref<!tpu.dma_semaphore, #tpu.memory_space<semaphore_mem>>)
        %dma_wait3A = arith.constant 0 : i32
        %dma_wait3A_431 = tpu.memref_slice %arg4[%add3A, %mul3A_416, %dma_wait3A] : memref<32x160x64xi32, #tpu.memory_space<hbm>> -> memref<1x16x64xi32, #tpu.memory_space<hbm>>
        %dma_wait3A_432 = tpu.memref_squeeze %dma_wait3A_431 : memref<1x16x64xi32, #tpu.memory_space<hbm>> -> memref<16x64xi32, #tpu.memory_space<hbm>>
        %dma_wait3A_433 = arith.constant 0 : i32
        %dma_wait3A_434 = tpu.memref_slice %arg4[%add3A, %mul3A_416, %dma_wait3A_433] : memref<32x160x64xi32, #tpu.memory_space<hbm>> -> memref<1x16x64xi32, #tpu.memory_space<hbm>>
        %dma_wait3A_435 = tpu.memref_squeeze %dma_wait3A_434 : memref<1x16x64xi32, #tpu.memory_space<hbm>> -> memref<16x64xi32, #tpu.memory_space<hbm>>
        tpu.wait_dma2 semaphore(%run_scoped3A : memref<!tpu.dma_semaphore, #tpu.memory_space<semaphore_mem>>) src(%dma_wait3A_435 : memref<16x64xi32, #tpu.memory_space<hbm>>) dst(%arg9 : memref<16x64xi32, #tpu.memory_space<vmem>>)
        tpu.yield
      }) : () -> ()
      %mul3A_417 = arith.constant 16 : i32
      %mul3A_418 = arith.muli %scan3A_414, %mul3A_417 : i32
      "tpu.region"() ({
        %run_scoped3A = tpu.sem_alloc : memref<!tpu.dma_semaphore, #tpu.memory_space<semaphore_mem>>
        %dma_start3A = arith.constant 0 : i32
        %dma_start3A_426 = tpu.memref_slice %arg5[%add3A, %mul3A_418, %dma_start3A] : memref<32x160x64xi32, #tpu.memory_space<hbm>> -> memref<1x16x64xi32, #tpu.memory_space<hbm>>
        %dma_start3A_427 = tpu.memref_squeeze %dma_start3A_426 : memref<1x16x64xi32, #tpu.memory_space<hbm>> -> memref<16x64xi32, #tpu.memory_space<hbm>>
        %dma_start3A_428 = arith.constant 0 : i32
        %dma_start3A_429 = tpu.memref_slice %arg5[%add3A, %mul3A_418, %dma_start3A_428] : memref<32x160x64xi32, #tpu.memory_space<hbm>> -> memref<1x16x64xi32, #tpu.memory_space<hbm>>
        %dma_start3A_430 = tpu.memref_squeeze %dma_start3A_429 : memref<1x16x64xi32, #tpu.memory_space<hbm>> -> memref<16x64xi32, #tpu.memory_space<hbm>>
        tpu.enqueue_dma source(%dma_start3A_430 : memref<16x64xi32, #tpu.memory_space<hbm>>) target(%arg10 : memref<16x64xi32, #tpu.memory_space<vmem>>) target_semaphore(%run_scoped3A : memref<!tpu.dma_semaphore, #tpu.memory_space<semaphore_mem>>)
        %dma_wait3A = arith.constant 0 : i32
        %dma_wait3A_431 = tpu.memref_slice %arg5[%add3A, %mul3A_418, %dma_wait3A] : memref<32x160x64xi32, #tpu.memory_space<hbm>> -> memref<1x16x64xi32, #tpu.memory_space<hbm>>
        %dma_wait3A_432 = tpu.memref_squeeze %dma_wait3A_431 : memref<1x16x64xi32, #tpu.memory_space<hbm>> -> memref<16x64xi32, #tpu.memory_space<hbm>>
        %dma_wait3A_433 = arith.constant 0 : i32
        %dma_wait3A_434 = tpu.memref_slice %arg5[%add3A, %mul3A_418, %dma_wait3A_433] : memref<32x160x64xi32, #tpu.memory_space<hbm>> -> memref<1x16x64xi32, #tpu.memory_space<hbm>>
        %dma_wait3A_435 = tpu.memref_squeeze %dma_wait3A_434 : memref<1x16x64xi32, #tpu.memory_space<hbm>> -> memref<16x64xi32, #tpu.memory_space<hbm>>
        tpu.wait_dma2 semaphore(%run_scoped3A : memref<!tpu.dma_semaphore, #tpu.memory_space<semaphore_mem>>) src(%dma_wait3A_435 : memref<16x64xi32, #tpu.memory_space<hbm>>) dst(%arg10 : memref<16x64xi32, #tpu.memory_space<vmem>>)
        tpu.yield
      }) : () -> ()
      %mul3A_419 = arith.constant 16 : i32
      %mul3A_420 = arith.muli %scan3A_414, %mul3A_419 : i32
      "tpu.region"() ({
        %run_scoped3A = tpu.sem_alloc : memref<!tpu.dma_semaphore, #tpu.memory_space<semaphore_mem>>
        %dma_start3A = arith.constant 0 : i32
        %dma_start3A_426 = tpu.memref_slice %arg6[%add3A, %mul3A_420, %dma_start3A] : memref<32x160x64xi32, #tpu.memory_space<hbm>> -> memref<1x16x64xi32, #tpu.memory_space<hbm>>
        %dma_start3A_427 = tpu.memref_squeeze %dma_start3A_426 : memref<1x16x64xi32, #tpu.memory_space<hbm>> -> memref<16x64xi32, #tpu.memory_space<hbm>>
        %dma_start3A_428 = arith.constant 0 : i32
        %dma_start3A_429 = tpu.memref_slice %arg6[%add3A, %mul3A_420, %dma_start3A_428] : memref<32x160x64xi32, #tpu.memory_space<hbm>> -> memref<1x16x64xi32, #tpu.memory_space<hbm>>
        %dma_start3A_430 = tpu.memref_squeeze %dma_start3A_429 : memref<1x16x64xi32, #tpu.memory_space<hbm>> -> memref<16x64xi32, #tpu.memory_space<hbm>>
        tpu.enqueue_dma source(%dma_start3A_430 : memref<16x64xi32, #tpu.memory_space<hbm>>) target(%arg11 : memref<16x64xi32, #tpu.memory_space<vmem>>) target_semaphore(%run_scoped3A : memref<!tpu.dma_semaphore, #tpu.memory_space<semaphore_mem>>)
        %dma_wait3A = arith.constant 0 : i32
        %dma_wait3A_431 = tpu.memref_slice %arg6[%add3A, %mul3A_420, %dma_wait3A] : memref<32x160x64xi32, #tpu.memory_space<hbm>> -> memref<1x16x64xi32, #tpu.memory_space<hbm>>
        %dma_wait3A_432 = tpu.memref_squeeze %dma_wait3A_431 : memref<1x16x64xi32, #tpu.memory_space<hbm>> -> memref<16x64xi32, #tpu.memory_space<hbm>>
        %dma_wait3A_433 = arith.constant 0 : i32
        %dma_wait3A_434 = tpu.memref_slice %arg6[%add3A, %mul3A_420, %dma_wait3A_433] : memref<32x160x64xi32, #tpu.memory_space<hbm>> -> memref<1x16x64xi32, #tpu.memory_space<hbm>>
        %dma_wait3A_435 = tpu.memref_squeeze %dma_wait3A_434 : memref<1x16x64xi32, #tpu.memory_space<hbm>> -> memref<16x64xi32, #tpu.memory_space<hbm>>
        tpu.wait_dma2 semaphore(%run_scoped3A : memref<!tpu.dma_semaphore, #tpu.memory_space<semaphore_mem>>) src(%dma_wait3A_435 : memref<16x64xi32, #tpu.memory_space<hbm>>) dst(%arg11 : memref<16x64xi32, #tpu.memory_space<vmem>>)
        tpu.yield
      }) : () -> ()
      %scan3A_421 = arith.constant 0 : i32
      %scan3A_422 = arith.constant 16 : i32
      %scan3A_423 = arith.addi %scan3A_421, %scan3A_422 : i32
      %scan3A_424 = arith.constant 1 : i32
      scf.for %scan3A_426 = %scan3A_421 to %scan3A_423 step %scan3A_424  : i32 {
        %dma_start3A = arith.constant 0 : i32
        %dma_start3A_427 = tpu.memref_slice %arg9[%scan3A_426, %dma_start3A] : memref<16x64xi32, #tpu.memory_space<vmem>> -> memref<1x64xi32, #tpu.memory_space<vmem>>
        %dma_start3A_428 = tpu.memref_squeeze %dma_start3A_427 : memref<1x64xi32, #tpu.memory_space<vmem>> -> memref<64xi32, #tpu.memory_space<vmem>>
        %dma_start3A_429 = arith.constant 0 : i32
        %dma_start3A_430 = arith.constant 0 : i32
        %dma_start3A_431 = tpu.memref_slice %arg2[%dma_start3A_429, %dma_start3A_430] : memref<10000x128xf32, #tpu.memory_space<hbm>> -> memref<10000x128xf32, #tpu.memory_space<hbm>>
        tpu.enqueue_indirect_dma source(%dma_start3A_431 : memref<10000x128xf32, #tpu.memory_space<hbm>>) target(%arg12 : memref<64x128xf32, #tpu.memory_space<vmem>>) offsets(%dma_start3A_428 : memref<64xi32, #tpu.memory_space<vmem>>) semaphore(%arg18 : memref<!tpu.dma_semaphore, #tpu.memory_space<semaphore_mem>>)
        %dma_start3A_432 = arith.constant 0 : i32
        %dma_start3A_433 = tpu.memref_slice %arg11[%scan3A_426, %dma_start3A_432] : memref<16x64xi32, #tpu.memory_space<vmem>> -> memref<1x64xi32, #tpu.memory_space<vmem>>
        %dma_start3A_434 = tpu.memref_squeeze %dma_start3A_433 : memref<1x64xi32, #tpu.memory_space<vmem>> -> memref<64xi32, #tpu.memory_space<vmem>>
        %dma_start3A_435 = arith.constant 0 : i32
        %dma_start3A_436 = arith.constant 0 : i32
        %dma_start3A_437 = tpu.memref_slice %arg3[%dma_start3A_435, %dma_start3A_436] : memref<400x128xf32, #tpu.memory_space<hbm>> -> memref<400x128xf32, #tpu.memory_space<hbm>>
        tpu.enqueue_indirect_dma source(%dma_start3A_437 : memref<400x128xf32, #tpu.memory_space<hbm>>) target(%arg13 : memref<64x128xf32, #tpu.memory_space<vmem>>) offsets(%dma_start3A_434 : memref<64xi32, #tpu.memory_space<vmem>>) semaphore(%arg19 : memref<!tpu.dma_semaphore, #tpu.memory_space<semaphore_mem>>)
        %dma_wait3A = arith.constant 0 : i32
        %dma_wait3A_438 = tpu.memref_slice %arg9[%scan3A_426, %dma_wait3A] : memref<16x64xi32, #tpu.memory_space<vmem>> -> memref<1x64xi32, #tpu.memory_space<vmem>>
        %dma_wait3A_439 = tpu.memref_squeeze %dma_wait3A_438 : memref<1x64xi32, #tpu.memory_space<vmem>> -> memref<64xi32, #tpu.memory_space<vmem>>
        %dma_wait3A_440 = arith.constant 0 : i32
        %dma_wait3A_441 = arith.constant 0 : i32
        %dma_wait3A_442 = tpu.memref_slice %arg2[%dma_wait3A_440, %dma_wait3A_441] : memref<10000x128xf32, #tpu.memory_space<hbm>> -> memref<10000x128xf32, #tpu.memory_space<hbm>>
        tpu.wait_indirect_dma semaphore(%arg18 : memref<!tpu.dma_semaphore, #tpu.memory_space<semaphore_mem>>) src(%dma_wait3A_442 : memref<10000x128xf32, #tpu.memory_space<hbm>>) dst(%arg12 : memref<64x128xf32, #tpu.memory_space<vmem>>)
        %dma_wait3A_443 = arith.constant 0 : i32
        %dma_wait3A_444 = tpu.memref_slice %arg11[%scan3A_426, %dma_wait3A_443] : memref<16x64xi32, #tpu.memory_space<vmem>> -> memref<1x64xi32, #tpu.memory_space<vmem>>
        %dma_wait3A_445 = tpu.memref_squeeze %dma_wait3A_444 : memref<1x64xi32, #tpu.memory_space<vmem>> -> memref<64xi32, #tpu.memory_space<vmem>>
        %dma_wait3A_446 = arith.constant 0 : i32
        %dma_wait3A_447 = arith.constant 0 : i32
        %dma_wait3A_448 = tpu.memref_slice %arg3[%dma_wait3A_446, %dma_wait3A_447] : memref<400x128xf32, #tpu.memory_space<hbm>> -> memref<400x128xf32, #tpu.memory_space<hbm>>
        tpu.wait_indirect_dma semaphore(%arg19 : memref<!tpu.dma_semaphore, #tpu.memory_space<semaphore_mem>>) src(%dma_wait3A_448 : memref<400x128xf32, #tpu.memory_space<hbm>>) dst(%arg13 : memref<64x128xf32, #tpu.memory_space<vmem>>)
        %scan3A_449 = arith.constant 0 : i32
        %scan3A_450 = arith.constant 64 : i32
        %scan3A_451 = arith.addi %scan3A_449, %scan3A_450 : i32
        %scan3A_452 = arith.constant 1 : i32
        scf.for %scan3A_454 = %scan3A_449 to %scan3A_451 step %scan3A_452  : i32 {
          %get3A = arith.index_cast %scan3A_454 : i32 to index
          %get3A_455 = arith.constant 0 : index
          %get3A_456 = tpu.vector_load %arg12[%get3A, %get3A_455] {strides = array<i32>} : memref<64x128xf32, #tpu.memory_space<vmem>>, vector<1x16xf32>,
          %get3A_457 = vector.shape_cast %get3A_456 : vector<1x16xf32> to vector<16xf32>
          %get3A_458 = arith.index_cast %scan3A_454 : i32 to index
          %get3A_459 = arith.constant 0 : index
          %get3A_460 = tpu.vector_load %arg13[%get3A_458, %get3A_459] {strides = array<i32>} : memref<64x128xf32, #tpu.memory_space<vmem>>, vector<1x16xf32>,
          %get3A_461 = vector.shape_cast %get3A_460 : vector<1x16xf32> to vector<16xf32>
          %add3A_462 = arith.addf %get3A_457, %get3A_461 : vector<16xf32>
          %swap3A_463 = arith.index_cast %scan3A_454 : i32 to index
          %swap3A_464 = arith.constant 0 : index
          %swap3A_465 = tpu.vector_load %arg12[%swap3A_463, %swap3A_464] {strides = array<i32>} : memref<64x128xf32, #tpu.memory_space<vmem>>, vector<1x16xf32>,
          %swap3A_466 = vector.shape_cast %swap3A_465 : vector<1x16xf32> to vector<16xf32>
          %swap3A_467 = vector.shape_cast %add3A_462 : vector<16xf32> to vector<1x16xf32>
          tpu.vector_store %arg12[%swap3A_463, %swap3A_464], %swap3A_467 {strides = array<i32>} : memref<64x128xf32, #tpu.memory_space<vmem>>, vector<1x16xf32>,
          %get3A_468 = arith.index_cast %scan3A_454 : i32 to index
          %get3A_469 = arith.constant 16 : index
          %get3A_470 = tpu.vector_load %arg12[%get3A_468, %get3A_469] {strides = array<i32>} : memref<64x128xf32, #tpu.memory_space<vmem>>, vector<1x16xf32>,
          %get3A_471 = vector.shape_cast %get3A_470 : vector<1x16xf32> to vector<16xf32>
          %get3A_472 = arith.index_cast %scan3A_454 : i32 to index
          %get3A_473 = arith.constant 16 : index
          %get3A_474 = tpu.vector_load %arg13[%get3A_472, %get3A_473] {strides = array<i32>} : memref<64x128xf32, #tpu.memory_space<vmem>>, vector<1x16xf32>,
          %get3A_475 = vector.shape_cast %get3A_474 : vector<1x16xf32> to vector<16xf32>
          %add3A_476 = arith.addf %get3A_471, %get3A_475 : vector<16xf32>
          %swap3A_477 = arith.index_cast %scan3A_454 : i32 to index
          %swap3A_478 = arith.constant 16 : index
          %swap3A_479 = tpu.vector_load %arg12[%swap3A_477, %swap3A_478] {strides = array<i32>} : memref<64x128xf32, #tpu.memory_space<vmem>>, vector<1x16xf32>,
          %swap3A_480 = vector.shape_cast %swap3A_479 : vector<1x16xf32> to vector<16xf32>
          %swap3A_481 = vector.shape_cast %add3A_476 : vector<16xf32> to vector<1x16xf32>
          tpu.vector_store %arg12[%swap3A_477, %swap3A_478], %swap3A_481 {strides = array<i32>} : memref<64x128xf32, #tpu.memory_space<vmem>>, vector<1x16xf32>,
          %get3A_482 = arith.index_cast %scan3A_454 : i32 to index
          %get3A_483 = arith.constant 32 : index
          %get3A_484 = tpu.vector_load %arg12[%get3A_482, %get3A_483] {strides = array<i32>} : memref<64x128xf32, #tpu.memory_space<vmem>>, vector<1x16xf32>,
          %get3A_485 = vector.shape_cast %get3A_484 : vector<1x16xf32> to vector<16xf32>
          %get3A_486 = arith.index_cast %scan3A_454 : i32 to index
          %get3A_487 = arith.constant 32 : index
          %get3A_488 = tpu.vector_load %arg13[%get3A_486, %get3A_487] {strides = array<i32>} : memref<64x128xf32, #tpu.memory_space<vmem>>, vector<1x16xf32>,
          %get3A_489 = vector.shape_cast %get3A_488 : vector<1x16xf32> to vector<16xf32>
          %add3A_490 = arith.addf %get3A_485, %get3A_489 : vector<16xf32>
          %swap3A_491 = arith.index_cast %scan3A_454 : i32 to index
          %swap3A_492 = arith.constant 32 : index
          %swap3A_493 = tpu.vector_load %arg12[%swap3A_491, %swap3A_492] {strides = array<i32>} : memref<64x128xf32, #tpu.memory_space<vmem>>, vector<1x16xf32>,
          %swap3A_494 = vector.shape_cast %swap3A_493 : vector<1x16xf32> to vector<16xf32>
          %swap3A_495 = vector.shape_cast %add3A_490 : vector<16xf32> to vector<1x16xf32>
          tpu.vector_store %arg12[%swap3A_491, %swap3A_492], %swap3A_495 {strides = array<i32>} : memref<64x128xf32, #tpu.memory_space<vmem>>, vector<1x16xf32>,
          %get3A_496 = arith.index_cast %scan3A_454 : i32 to index
          %get3A_497 = arith.constant 48 : index
          %get3A_498 = tpu.vector_load %arg12[%get3A_496, %get3A_497] {strides = array<i32>} : memref<64x128xf32, #tpu.memory_space<vmem>>, vector<1x16xf32>,
          %get3A_499 = vector.shape_cast %get3A_498 : vector<1x16xf32> to vector<16xf32>
          %get3A_500 = arith.index_cast %scan3A_454 : i32 to index
          %get3A_501 = arith.constant 48 : index
          %get3A_502 = tpu.vector_load %arg13[%get3A_500, %get3A_501] {strides = array<i32>} : memref<64x128xf32, #tpu.memory_space<vmem>>, vector<1x16xf32>,
          %get3A_503 = vector.shape_cast %get3A_502 : vector<1x16xf32> to vector<16xf32>
          %add3A_504 = arith.addf %get3A_499, %get3A_503 : vector<16xf32>
          %swap3A_505 = arith.index_cast %scan3A_454 : i32 to index
          %swap3A_506 = arith.constant 48 : index
          %swap3A_507 = tpu.vector_load %arg12[%swap3A_505, %swap3A_506] {strides = array<i32>} : memref<64x128xf32, #tpu.memory_space<vmem>>, vector<1x16xf32>,
          %swap3A_508 = vector.shape_cast %swap3A_507 : vector<1x16xf32> to vector<16xf32>
          %swap3A_509 = vector.shape_cast %add3A_504 : vector<16xf32> to vector<1x16xf32>
          tpu.vector_store %arg12[%swap3A_505, %swap3A_506], %swap3A_509 {strides = array<i32>} : memref<64x128xf32, #tpu.memory_space<vmem>>, vector<1x16xf32>,
          %get3A_510 = arith.index_cast %scan3A_454 : i32 to index
          %get3A_511 = arith.constant 64 : index
          %get3A_512 = tpu.vector_load %arg12[%get3A_510, %get3A_511] {strides = array<i32>} : memref<64x128xf32, #tpu.memory_space<vmem>>, vector<1x16xf32>,
          %get3A_513 = vector.shape_cast %get3A_512 : vector<1x16xf32> to vector<16xf32>
          %get3A_514 = arith.index_cast %scan3A_454 : i32 to index
          %get3A_515 = arith.constant 64 : index
          %get3A_516 = tpu.vector_load %arg13[%get3A_514, %get3A_515] {strides = array<i32>} : memref<64x128xf32, #tpu.memory_space<vmem>>, vector<1x16xf32>,
          %get3A_517 = vector.shape_cast %get3A_516 : vector<1x16xf32> to vector<16xf32>
          %add3A_518 = arith.addf %get3A_513, %get3A_517 : vector<16xf32>
          %swap3A_519 = arith.index_cast %scan3A_454 : i32 to index
          %swap3A_520 = arith.constant 64 : index
          %swap3A_521 = tpu.vector_load %arg12[%swap3A_519, %swap3A_520] {strides = array<i32>} : memref<64x128xf32, #tpu.memory_space<vmem>>, vector<1x16xf32>,
          %swap3A_522 = vector.shape_cast %swap3A_521 : vector<1x16xf32> to vector<16xf32>
          %swap3A_523 = vector.shape_cast %add3A_518 : vector<16xf32> to vector<1x16xf32>
          tpu.vector_store %arg12[%swap3A_519, %swap3A_520], %swap3A_523 {strides = array<i32>} : memref<64x128xf32, #tpu.memory_space<vmem>>, vector<1x16xf32>,
          %get3A_524 = arith.index_cast %scan3A_454 : i32 to index
          %get3A_525 = arith.constant 80 : index
          %get3A_526 = tpu.vector_load %arg12[%get3A_524, %get3A_525] {strides = array<i32>} : memref<64x128xf32, #tpu.memory_space<vmem>>, vector<1x16xf32>,
          %get3A_527 = vector.shape_cast %get3A_526 : vector<1x16xf32> to vector<16xf32>
          %get3A_528 = arith.index_cast %scan3A_454 : i32 to index
          %get3A_529 = arith.constant 80 : index
          %get3A_530 = tpu.vector_load %arg13[%get3A_528, %get3A_529] {strides = array<i32>} : memref<64x128xf32, #tpu.memory_space<vmem>>, vector<1x16xf32>,
          %get3A_531 = vector.shape_cast %get3A_530 : vector<1x16xf32> to vector<16xf32>
          %add3A_532 = arith.addf %get3A_527, %get3A_531 : vector<16xf32>
          %swap3A_533 = arith.index_cast %scan3A_454 : i32 to index
          %swap3A_534 = arith.constant 80 : index
          %swap3A_535 = tpu.vector_load %arg12[%swap3A_533, %swap3A_534] {strides = array<i32>} : memref<64x128xf32, #tpu.memory_space<vmem>>, vector<1x16xf32>,
          %swap3A_536 = vector.shape_cast %swap3A_535 : vector<1x16xf32> to vector<16xf32>
          %swap3A_537 = vector.shape_cast %add3A_532 : vector<16xf32> to vector<1x16xf32>
          tpu.vector_store %arg12[%swap3A_533, %swap3A_534], %swap3A_537 {strides = array<i32>} : memref<64x128xf32, #tpu.memory_space<vmem>>, vector<1x16xf32>,
          %get3A_538 = arith.index_cast %scan3A_454 : i32 to index
          %get3A_539 = arith.constant 96 : index
          %get3A_540 = tpu.vector_load %arg12[%get3A_538, %get3A_539] {strides = array<i32>} : memref<64x128xf32, #tpu.memory_space<vmem>>, vector<1x16xf32>,
          %get3A_541 = vector.shape_cast %get3A_540 : vector<1x16xf32> to vector<16xf32>
          %get3A_542 = arith.index_cast %scan3A_454 : i32 to index
          %get3A_543 = arith.constant 96 : index
          %get3A_544 = tpu.vector_load %arg13[%get3A_542, %get3A_543] {strides = array<i32>} : memref<64x128xf32, #tpu.memory_space<vmem>>, vector<1x16xf32>,
          %get3A_545 = vector.shape_cast %get3A_544 : vector<1x16xf32> to vector<16xf32>
          %add3A_546 = arith.addf %get3A_541, %get3A_545 : vector<16xf32>
          %swap3A_547 = arith.index_cast %scan3A_454 : i32 to index
          %swap3A_548 = arith.constant 96 : index
          %swap3A_549 = tpu.vector_load %arg12[%swap3A_547, %swap3A_548] {strides = array<i32>} : memref<64x128xf32, #tpu.memory_space<vmem>>, vector<1x16xf32>,
          %swap3A_550 = vector.shape_cast %swap3A_549 : vector<1x16xf32> to vector<16xf32>
          %swap3A_551 = vector.shape_cast %add3A_546 : vector<16xf32> to vector<1x16xf32>
          tpu.vector_store %arg12[%swap3A_547, %swap3A_548], %swap3A_551 {strides = array<i32>} : memref<64x128xf32, #tpu.memory_space<vmem>>, vector<1x16xf32>,
          %get3A_552 = arith.index_cast %scan3A_454 : i32 to index
          %get3A_553 = arith.constant 112 : index
          %get3A_554 = tpu.vector_load %arg12[%get3A_552, %get3A_553] {strides = array<i32>} : memref<64x128xf32, #tpu.memory_space<vmem>>, vector<1x16xf32>,
          %get3A_555 = vector.shape_cast %get3A_554 : vector<1x16xf32> to vector<16xf32>
          %get3A_556 = arith.index_cast %scan3A_454 : i32 to index
          %get3A_557 = arith.constant 112 : index
          %get3A_558 = tpu.vector_load %arg13[%get3A_556, %get3A_557] {strides = array<i32>} : memref<64x128xf32, #tpu.memory_space<vmem>>, vector<1x16xf32>,
          %get3A_559 = vector.shape_cast %get3A_558 : vector<1x16xf32> to vector<16xf32>
          %add3A_560 = arith.addf %get3A_555, %get3A_559 : vector<16xf32>
          %swap3A_561 = arith.index_cast %scan3A_454 : i32 to index
          %swap3A_562 = arith.constant 112 : index
          %swap3A_563 = tpu.vector_load %arg12[%swap3A_561, %swap3A_562] {strides = array<i32>} : memref<64x128xf32, #tpu.memory_space<vmem>>, vector<1x16xf32>,
          %swap3A_564 = vector.shape_cast %swap3A_563 : vector<1x16xf32> to vector<16xf32>
          %swap3A_565 = vector.shape_cast %add3A_560 : vector<16xf32> to vector<1x16xf32>
          tpu.vector_store %arg12[%swap3A_561, %swap3A_562], %swap3A_565 {strides = array<i32>} : memref<64x128xf32, #tpu.memory_space<vmem>>, vector<1x16xf32>,
        }
        %scan3A_453 = arith.constant 64 : i32
        "tpu.region"() ({
          %run_scoped3A = tpu.sem_alloc : memref<!tpu.dma_semaphore, #tpu.memory_space<semaphore_mem>>
          %dma_start3A_454 = arith.constant 0 : i32
          %dma_start3A_455 = tpu.memref_slice %arg10[%scan3A_426, %dma_start3A_454] : memref<16x64xi32, #tpu.memory_space<vmem>> -> memref<1x64xi32, #tpu.memory_space<vmem>>
          %dma_start3A_456 = tpu.memref_squeeze %dma_start3A_455 : memref<1x64xi32, #tpu.memory_space<vmem>> -> memref<64xi32, #tpu.memory_space<vmem>>
          %dma_start3A_457 = arith.constant 0 : i32
          %dma_start3A_458 = arith.constant 0 : i32
          %dma_start3A_459 = tpu.memref_slice %arg16[%dma_start3A_457, %dma_start3A_458] : memref<10240x128xf32, #tpu.memory_space<vmem_shared>> -> memref<10240x128xf32, #tpu.memory_space<vmem_shared>>
          tpu.enqueue_indirect_dma source(%arg12 : memref<64x128xf32, #tpu.memory_space<vmem>>) target(%dma_start3A_459 : memref<10240x128xf32, #tpu.memory_space<vmem_shared>>) offsets(%dma_start3A_456 : memref<64xi32, #tpu.memory_space<vmem>>) semaphore(%run_scoped3A : memref<!tpu.dma_semaphore, #tpu.memory_space<semaphore_mem>>) {add = true}
          %dma_wait3A_460 = arith.constant 0 : i32
          %dma_wait3A_461 = tpu.memref_slice %arg10[%scan3A_426, %dma_wait3A_460] : memref<16x64xi32, #tpu.memory_space<vmem>> -> memref<1x64xi32, #tpu.memory_space<vmem>>
          %dma_wait3A_462 = tpu.memref_squeeze %dma_wait3A_461 : memref<1x64xi32, #tpu.memory_space<vmem>> -> memref<64xi32, #tpu.memory_space<vmem>>
          %dma_wait3A_463 = arith.constant 0 : i32
          %dma_wait3A_464 = arith.constant 0 : i32
          %dma_wait3A_465 = tpu.memref_slice %arg16[%dma_wait3A_463, %dma_wait3A_464] : memref<10240x128xf32, #tpu.memory_space<vmem_shared>> -> memref<10240x128xf32, #tpu.memory_space<vmem_shared>>
          tpu.wait_indirect_dma semaphore(%run_scoped3A : memref<!tpu.dma_semaphore, #tpu.memory_space<semaphore_mem>>) src(%arg12 : memref<64x128xf32, #tpu.memory_space<vmem>>) dst(%dma_wait3A_465 : memref<10240x128xf32, #tpu.memory_space<vmem_shared>>)
          tpu.yield
        }) : () -> ()
        "tpu.region"() ({
          %run_scoped3A = tpu.sem_alloc : memref<!tpu.dma_semaphore, #tpu.memory_space<semaphore_mem>>
          %dma_start3A_454 = arith.constant 0 : i32
          %dma_start3A_455 = tpu.memref_slice %arg10[%scan3A_426, %dma_start3A_454] : memref<16x64xi32, #tpu.memory_space<vmem>> -> memref<1x64xi32, #tpu.memory_space<vmem>>
          %dma_start3A_456 = tpu.memref_squeeze %dma_start3A_455 : memref<1x64xi32, #tpu.memory_space<vmem>> -> memref<64xi32, #tpu.memory_space<vmem>>
          %dma_start3A_457 = arith.constant 0 : i32
          %dma_start3A_458 = arith.constant 0 : i32
          %dma_start3A_459 = tpu.memref_slice %arg17[%dma_start3A_457, %dma_start3A_458] : memref<10240x16xf32, #tpu.memory_space<vmem_shared>> -> memref<10240x16xf32, #tpu.memory_space<vmem_shared>>
          tpu.enqueue_indirect_dma source(%arg14 : memref<64x16xf32, #tpu.memory_space<vmem>>) target(%dma_start3A_459 : memref<10240x16xf32, #tpu.memory_space<vmem_shared>>) offsets(%dma_start3A_456 : memref<64xi32, #tpu.memory_space<vmem>>) semaphore(%run_scoped3A : memref<!tpu.dma_semaphore, #tpu.memory_space<semaphore_mem>>) {add = true}
          %dma_wait3A_460 = arith.constant 0 : i32
          %dma_wait3A_461 = tpu.memref_slice %arg10[%scan3A_426, %dma_wait3A_460] : memref<16x64xi32, #tpu.memory_space<vmem>> -> memref<1x64xi32, #tpu.memory_space<vmem>>
          %dma_wait3A_462 = tpu.memref_squeeze %dma_wait3A_461 : memref<1x64xi32, #tpu.memory_space<vmem>> -> memref<64xi32, #tpu.memory_space<vmem>>
          %dma_wait3A_463 = arith.constant 0 : i32
          %dma_wait3A_464 = arith.constant 0 : i32
          %dma_wait3A_465 = tpu.memref_slice %arg17[%dma_wait3A_463, %dma_wait3A_464] : memref<10240x16xf32, #tpu.memory_space<vmem_shared>> -> memref<10240x16xf32, #tpu.memory_space<vmem_shared>>
          tpu.wait_indirect_dma semaphore(%run_scoped3A : memref<!tpu.dma_semaphore, #tpu.memory_space<semaphore_mem>>) src(%arg14 : memref<64x16xf32, #tpu.memory_space<vmem>>) dst(%dma_wait3A_465 : memref<10240x16xf32, #tpu.memory_space<vmem_shared>>)
          tpu.yield
        }) : () -> ()
      }
      %scan3A_425 = arith.constant 16 : i32
    }
    %scan3A_407 = arith.constant 10 : i32
    %barrier3A_408 = arith.constant 0 : index
    tpu.barrier barrier_id(%barrier3A_408)
    %scan3A_409 = arith.constant 0 : i32
    %scan3A_410 = arith.constant 10 : i32
    %scan3A_411 = arith.addi %scan3A_409, %scan3A_410 : i32
    %scan3A_412 = arith.constant 1 : i32
    scf.for %scan3A_414 = %scan3A_409 to %scan3A_411 step %scan3A_412  : i32 {
      "tpu.region"() ({
        %run_scoped3A = tpu.sem_alloc : memref<!tpu.dma_semaphore, #tpu.memory_space<semaphore_mem>>
        %dma_start3A = arith.constant 0 : i32
        %dma_start3A_421 = tpu.memref_slice %arg15[%scan3A_414, %dma_start3A] : memref<10x64xi32, #tpu.memory_space<vmem>> -> memref<1x64xi32, #tpu.memory_space<vmem>>
        %dma_start3A_422 = tpu.memref_squeeze %dma_start3A_421 : memref<1x64xi32, #tpu.memory_space<vmem>> -> memref<64xi32, #tpu.memory_space<vmem>>
        %dma_start3A_423 = arith.constant 0 : i32
        %dma_start3A_424 = arith.constant 0 : i32
        %dma_start3A_425 = tpu.memref_slice %arg16[%dma_start3A_423, %dma_start3A_424] : memref<10240x128xf32, #tpu.memory_space<vmem_shared>> -> memref<10240x128xf32, #tpu.memory_space<vmem_shared>>
        tpu.enqueue_indirect_dma source(%dma_start3A_425 : memref<10240x128xf32, #tpu.memory_space<vmem_shared>>) target(%arg12 : memref<64x128xf32, #tpu.memory_space<vmem>>) offsets(%dma_start3A_422 : memref<64xi32, #tpu.memory_space<vmem>>) semaphore(%run_scoped3A : memref<!tpu.dma_semaphore, #tpu.memory_space<semaphore_mem>>)
        %dma_wait3A = arith.constant 0 : i32
        %dma_wait3A_426 = tpu.memref_slice %arg15[%scan3A_414, %dma_wait3A] : memref<10x64xi32, #tpu.memory_space<vmem>> -> memref<1x64xi32, #tpu.memory_space<vmem>>
        %dma_wait3A_427 = tpu.memref_squeeze %dma_wait3A_426 : memref<1x64xi32, #tpu.memory_space<vmem>> -> memref<64xi32, #tpu.memory_space<vmem>>
        %dma_wait3A_428 = arith.constant 0 : i32
        %dma_wait3A_429 = arith.constant 0 : i32
        %dma_wait3A_430 = tpu.memref_slice %arg16[%dma_wait3A_428, %dma_wait3A_429] : memref<10240x128xf32, #tpu.memory_space<vmem_shared>> -> memref<10240x128xf32, #tpu.memory_space<vmem_shared>>
        tpu.wait_indirect_dma semaphore(%run_scoped3A : memref<!tpu.dma_semaphore, #tpu.memory_space<semaphore_mem>>) src(%dma_wait3A_430 : memref<10240x128xf32, #tpu.memory_space<vmem_shared>>) dst(%arg12 : memref<64x128xf32, #tpu.memory_space<vmem>>)
        tpu.yield
      }) : () -> ()
      %mul3A_415 = arith.constant 64 : i32
      %mul3A_416 = arith.muli %scan3A_414, %mul3A_415 : i32
      %add3A_417 = arith.addi %mul3A_2, %mul3A_416 : i32
      "tpu.region"() ({
        %run_scoped3A = tpu.sem_alloc : memref<!tpu.dma_semaphore, #tpu.memory_space<semaphore_mem>>
        %dma_start3A = arith.constant 0 : i32
        %dma_start3A_421 = tpu.memref_slice %arg7[%arg0, %add3A_417, %dma_start3A] : memref<2x10240x128xf32, #tpu.memory_space<hbm>> -> memref<1x64x128xf32, #tpu.memory_space<hbm>>
        %dma_start3A_422 = tpu.memref_squeeze %dma_start3A_421 : memref<1x64x128xf32, #tpu.memory_space<hbm>> -> memref<64x128xf32, #tpu.memory_space<hbm>>
        %dma_start3A_423 = arith.constant 0 : i32
        %dma_start3A_424 = tpu.memref_slice %arg7[%arg0, %add3A_417, %dma_start3A_423] : memref<2x10240x128xf32, #tpu.memory_space<hbm>> -> memref<1x64x128xf32, #tpu.memory_space<hbm>>
        %dma_start3A_425 = tpu.memref_squeeze %dma_start3A_424 : memref<1x64x128xf32, #tpu.memory_space<hbm>> -> memref<64x128xf32, #tpu.memory_space<hbm>>
        tpu.enqueue_dma source(%arg12 : memref<64x128xf32, #tpu.memory_space<vmem>>) target(%dma_start3A_425 : memref<64x128xf32, #tpu.memory_space<hbm>>) target_semaphore(%run_scoped3A : memref<!tpu.dma_semaphore, #tpu.memory_space<semaphore_mem>>)
        %dma_wait3A = arith.constant 0 : i32
        %dma_wait3A_426 = tpu.memref_slice %arg7[%arg0, %add3A_417, %dma_wait3A] : memref<2x10240x128xf32, #tpu.memory_space<hbm>> -> memref<1x64x128xf32, #tpu.memory_space<hbm>>
        %dma_wait3A_427 = tpu.memref_squeeze %dma_wait3A_426 : memref<1x64x128xf32, #tpu.memory_space<hbm>> -> memref<64x128xf32, #tpu.memory_space<hbm>>
        %dma_wait3A_428 = arith.constant 0 : i32
        %dma_wait3A_429 = tpu.memref_slice %arg7[%arg0, %add3A_417, %dma_wait3A_428] : memref<2x10240x128xf32, #tpu.memory_space<hbm>> -> memref<1x64x128xf32, #tpu.memory_space<hbm>>
        %dma_wait3A_430 = tpu.memref_squeeze %dma_wait3A_429 : memref<1x64x128xf32, #tpu.memory_space<hbm>> -> memref<64x128xf32, #tpu.memory_space<hbm>>
        tpu.wait_dma2 semaphore(%run_scoped3A : memref<!tpu.dma_semaphore, #tpu.memory_space<semaphore_mem>>) src(%arg12 : memref<64x128xf32, #tpu.memory_space<vmem>>) dst(%dma_wait3A_430 : memref<64x128xf32, #tpu.memory_space<hbm>>)
        tpu.yield
      }) : () -> ()
      "tpu.region"() ({
        %run_scoped3A = tpu.sem_alloc : memref<!tpu.dma_semaphore, #tpu.memory_space<semaphore_mem>>
        %dma_start3A = arith.constant 0 : i32
        %dma_start3A_421 = tpu.memref_slice %arg15[%scan3A_414, %dma_start3A] : memref<10x64xi32, #tpu.memory_space<vmem>> -> memref<1x64xi32, #tpu.memory_space<vmem>>
        %dma_start3A_422 = tpu.memref_squeeze %dma_start3A_421 : memref<1x64xi32, #tpu.memory_space<vmem>> -> memref<64xi32, #tpu.memory_space<vmem>>
        %dma_start3A_423 = arith.constant 0 : i32
        %dma_start3A_424 = arith.constant 0 : i32
        %dma_start3A_425 = tpu.memref_slice %arg17[%dma_start3A_423, %dma_start3A_424] : memref<10240x16xf32, #tpu.memory_space<vmem_shared>> -> memref<10240x16xf32, #tpu.memory_space<vmem_shared>>
        tpu.enqueue_indirect_dma source(%dma_start3A_425 : memref<10240x16xf32, #tpu.memory_space<vmem_shared>>) target(%arg14 : memref<64x16xf32, #tpu.memory_space<vmem>>) offsets(%dma_start3A_422 : memref<64xi32, #tpu.memory_space<vmem>>) semaphore(%run_scoped3A : memref<!tpu.dma_semaphore, #tpu.memory_space<semaphore_mem>>)
        %dma_wait3A = arith.constant 0 : i32
        %dma_wait3A_426 = tpu.memref_slice %arg15[%scan3A_414, %dma_wait3A] : memref<10x64xi32, #tpu.memory_space<vmem>> -> memref<1x64xi32, #tpu.memory_space<vmem>>
        %dma_wait3A_427 = tpu.memref_squeeze %dma_wait3A_426 : memref<1x64xi32, #tpu.memory_space<vmem>> -> memref<64xi32, #tpu.memory_space<vmem>>
        %dma_wait3A_428 = arith.constant 0 : i32
        %dma_wait3A_429 = arith.constant 0 : i32
        %dma_wait3A_430 = tpu.memref_slice %arg17[%dma_wait3A_428, %dma_wait3A_429] : memref<10240x16xf32, #tpu.memory_space<vmem_shared>> -> memref<10240x16xf32, #tpu.memory_space<vmem_shared>>
        tpu.wait_indirect_dma semaphore(%run_scoped3A : memref<!tpu.dma_semaphore, #tpu.memory_space<semaphore_mem>>) src(%dma_wait3A_430 : memref<10240x16xf32, #tpu.memory_space<vmem_shared>>) dst(%arg14 : memref<64x16xf32, #tpu.memory_space<vmem>>)
        tpu.yield
      }) : () -> ()
      %mul3A_418 = arith.constant 64 : i32
      %mul3A_419 = arith.muli %scan3A_414, %mul3A_418 : i32
      %add3A_420 = arith.addi %mul3A_2, %mul3A_419 : i32
      "tpu.region"() ({
        %run_scoped3A = tpu.sem_alloc : memref<!tpu.dma_semaphore, #tpu.memory_space<semaphore_mem>>
        %dma_start3A = arith.constant 0 : i32
        %dma_start3A_421 = tpu.memref_slice %arg8[%arg0, %add3A_420, %dma_start3A] : memref<2x10240x16xf32, #tpu.memory_space<hbm>> -> memref<1x64x16xf32, #tpu.memory_space<hbm>>
        %dma_start3A_422 = tpu.memref_squeeze %dma_start3A_421 : memref<1x64x16xf32, #tpu.memory_space<hbm>> -> memref<64x16xf32, #tpu.memory_space<hbm>>
        %dma_start3A_423 = arith.constant 0 : i32
        %dma_start3A_424 = tpu.memref_slice %arg8[%arg0, %add3A_420, %dma_start3A_423] : memref<2x10240x16xf32, #tpu.memory_space<hbm>> -> memref<1x64x16xf32, #tpu.memory_space<hbm>>
        %dma_start3A_425 = tpu.memref_squeeze %dma_start3A_424 : memref<1x64x16xf32, #tpu.memory_space<hbm>> -> memref<64x16xf32, #tpu.memory_space<hbm>>
        tpu.enqueue_dma source(%arg14 : memref<64x16xf32, #tpu.memory_space<vmem>>) target(%dma_start3A_425 : memref<64x16xf32, #tpu.memory_space<hbm>>) target_semaphore(%run_scoped3A : memref<!tpu.dma_semaphore, #tpu.memory_space<semaphore_mem>>)
        %dma_wait3A = arith.constant 0 : i32
        %dma_wait3A_426 = tpu.memref_slice %arg8[%arg0, %add3A_420, %dma_wait3A] : memref<2x10240x16xf32, #tpu.memory_space<hbm>> -> memref<1x64x16xf32, #tpu.memory_space<hbm>>
        %dma_wait3A_427 = tpu.memref_squeeze %dma_wait3A_426 : memref<1x64x16xf32, #tpu.memory_space<hbm>> -> memref<64x16xf32, #tpu.memory_space<hbm>>
        %dma_wait3A_428 = arith.constant 0 : i32
        %dma_wait3A_429 = tpu.memref_slice %arg8[%arg0, %add3A_420, %dma_wait3A_428] : memref<2x10240x16xf32, #tpu.memory_space<hbm>> -> memref<1x64x16xf32, #tpu.memory_space<hbm>>
        %dma_wait3A_430 = tpu.memref_squeeze %dma_wait3A_429 : memref<1x64x16xf32, #tpu.memory_space<hbm>> -> memref<64x16xf32, #tpu.memory_space<hbm>>
        tpu.wait_dma2 semaphore(%run_scoped3A : memref<!tpu.dma_semaphore, #tpu.memory_space<semaphore_mem>>) src(%arg14 : memref<64x16xf32, #tpu.memory_space<vmem>>) dst(%dma_wait3A_430 : memref<64x16xf32, #tpu.memory_space<hbm>>)
        tpu.yield
      }) : () -> ()
    }
    %scan3A_413 = arith.constant 10 : i32
    return
  }
}

module attributes {stable_mosaic.version = 14 : i64} {
  func.func @_tc_dense_body(%arg0: i32, %arg1: memref<2000x128xf32, #tpu.memory_space<vmem>>, %arg2: memref<2000x1xf32, #tpu.memory_space<vmem>>, %arg3: memref<2000x128xf32, #tpu.memory_space<vmem>>, %arg4: memref<2000x128xf32, #tpu.memory_space<vmem>>, %arg5: memref<2000x128xf32, #tpu.memory_space<vmem>>, %arg6: memref<2000x16xf32, #tpu.memory_space<vmem>>, %arg7: memref<2000x16xf32, #tpu.memory_space<vmem>>, %arg8: memref<128x128xf32, #tpu.memory_space<vmem>>, %arg9: memref<128x128xf32, #tpu.memory_space<vmem>>, %arg10: memref<128x128xf32, #tpu.memory_space<vmem>>, %arg11: memref<128x128xf32, #tpu.memory_space<vmem>>, %arg12: memref<1x128xf32, #tpu.memory_space<vmem>>, %arg13: memref<2000x128xf32, #tpu.memory_space<vmem>>) attributes {dimension_semantics = [#tpu.dimension_semantics<arbitrary>], iteration_bounds = array<i64: 5>, scalar_prefetch = 0 : i64, scratch_operands = 0 : i64, tpu.core_type = #tpu.core_type<tc>, window_params = [{transform_indices = @transform_0, window_bounds = array<i64: 2000, 128>}, {transform_indices = @transform_1, window_bounds = array<i64: 2000, 1>}, {transform_indices = @transform_2, window_bounds = array<i64: 2000, 128>}, {transform_indices = @transform_3, window_bounds = array<i64: 2000, 128>}, {transform_indices = @transform_4, window_bounds = array<i64: 2000, 128>}, {transform_indices = @transform_5, window_bounds = array<i64: 2000, 16>}, {transform_indices = @transform_6, window_bounds = array<i64: 2000, 16>}, {pipeline_mode = #tpu.pipeline_mode<synchronous>, transform_indices = @transform_7, window_bounds = array<i64: 128, 128>}, {pipeline_mode = #tpu.pipeline_mode<synchronous>, transform_indices = @transform_8, window_bounds = array<i64: 128, 128>}, {pipeline_mode = #tpu.pipeline_mode<synchronous>, transform_indices = @transform_9, window_bounds = array<i64: 128, 128>}, {pipeline_mode = #tpu.pipeline_mode<synchronous>, transform_indices = @transform_10, window_bounds = array<i64: 128, 128>}, {pipeline_mode = #tpu.pipeline_mode<synchronous>, transform_indices = @transform_11, window_bounds = array<i64: 1, 128>}, {transform_indices = @transform_12, window_bounds = array<i64: 2000, 128>}]} {
    %get3A = arith.constant 0 : index
    %get3A_0 = arith.constant 0 : index
    %get3A_1 = vector.load %arg4[%get3A, %get3A_0] : memref<2000x128xf32, #tpu.memory_space<vmem>>, vector<2000x128xf32>
    %get3A_2 = arith.constant 0 : index
    %get3A_3 = arith.constant 0 : index
    %get3A_4 = vector.load %arg5[%get3A_2, %get3A_3] : memref<2000x128xf32, #tpu.memory_space<vmem>>, vector<2000x128xf32>
    %add3A = arith.addf %get3A_1, %get3A_4 : vector<2000x128xf32>
    %get3A_5 = arith.constant 0 : index
    %get3A_6 = arith.constant 0 : index
    %get3A_7 = vector.load %arg8[%get3A_5, %get3A_6] : memref<128x128xf32, #tpu.memory_space<vmem>>, vector<128x128xf32>
    %dot_general3A = arith.constant dense<0.000000e+00> : vector<2000x128xf32>
    %dot_general3A_8 = tpu.matmul %add3A, %get3A_7, %dot_general3A {dimension_numbers = #tpu.dot_dimension_numbers<[1], [0], [0], [1], [0, 0, 1, 1], [], []>, transpose_lhs_hint = false} : vector<2000x128xf32>, vector<128x128xf32>, vector<2000x128xf32> -> vector<2000x128xf32>
    %get3A_9 = arith.constant 0 : index
    %get3A_10 = arith.constant 0 : index
    %get3A_11 = vector.load %arg6[%get3A_9, %get3A_10] : memref<2000x16xf32, #tpu.memory_space<vmem>>, vector<2000x16xf32>
    %get3A_12 = arith.constant 0 : index
    %get3A_13 = arith.constant 0 : index
    %get3A_14 = vector.load %arg7[%get3A_12, %get3A_13] : memref<2000x16xf32, #tpu.memory_space<vmem>>, vector<2000x16xf32>
    %add3A_15 = arith.addf %get3A_11, %get3A_14 : vector<2000x16xf32>
    %reduce_sum3A = arith.constant dense<0.000000e+00> : vector<2000xf32>
    %reduce_sum3A_16 = vector.multi_reduction <add>, %add3A_15, %reduce_sum3A [1] : vector<2000x16xf32> to vector<2000xf32>
    %broadcast_in_dim3A = vector.shape_cast %reduce_sum3A_16 : vector<2000xf32> to vector<2000x1xf32>
    %get3A_17 = arith.constant 0 : index
    %get3A_18 = arith.constant 0 : index
    %get3A_19 = vector.load %arg1[%get3A_17, %get3A_18] : memref<2000x128xf32, #tpu.memory_space<vmem>>, vector<2000x128xf32>
    %get3A_20 = arith.constant 0 : index
    %get3A_21 = arith.constant 0 : index
    %get3A_22 = vector.load %arg9[%get3A_20, %get3A_21] : memref<128x128xf32, #tpu.memory_space<vmem>>, vector<128x128xf32>
    %dot_general3A_23 = arith.constant dense<0.000000e+00> : vector<2000x128xf32>
    %dot_general3A_24 = tpu.matmul %get3A_19, %get3A_22, %dot_general3A_23 {dimension_numbers = #tpu.dot_dimension_numbers<[1], [0], [0], [1], [0, 0, 1, 1], [], []>, transpose_lhs_hint = false} : vector<2000x128xf32>, vector<128x128xf32>, vector<2000x128xf32> -> vector<2000x128xf32>
    %get3A_25 = arith.constant 0 : index
    %get3A_26 = arith.constant 0 : index
    %get3A_27 = vector.load %arg10[%get3A_25, %get3A_26] : memref<128x128xf32, #tpu.memory_space<vmem>>, vector<128x128xf32>
    %dot_general3A_28 = arith.constant dense<0.000000e+00> : vector<2000x128xf32>
    %dot_general3A_29 = tpu.matmul %get3A_19, %get3A_27, %dot_general3A_28 {dimension_numbers = #tpu.dot_dimension_numbers<[1], [0], [0], [1], [0, 0, 1, 1], [], []>, transpose_lhs_hint = false} : vector<2000x128xf32>, vector<128x128xf32>, vector<2000x128xf32> -> vector<2000x128xf32>
    %gt3A = arith.constant 0.000000e+00 : f32
    %gt3A_30 = vector.broadcast %gt3A : f32 to vector<2000x1xf32>
    %gt3A_31 = arith.cmpf ogt, %broadcast_in_dim3A, %gt3A_30 : vector<2000x1xf32>
    %broadcast_in_dim3A_32 = vector.shape_cast %gt3A_31 : vector<2000x1xi1> to vector<2000x1xi1>
    %broadcast_in_dim3A_33 = vector.broadcast %broadcast_in_dim3A_32 : vector<2000x1xi1> to vector<2000x128xi1>
    %select_n3A = arith.select %broadcast_in_dim3A_33, %dot_general3A_24, %dot_general3A_29 : vector<2000x128xi1>, vector<2000x128xf32>
    %get3A_34 = arith.constant 0 : index
    %get3A_35 = arith.constant 0 : index
    %get3A_36 = vector.load %arg3[%get3A_34, %get3A_35] : memref<2000x128xf32, #tpu.memory_space<vmem>>, vector<2000x128xf32>
    %get3A_37 = arith.constant 0 : index
    %get3A_38 = arith.constant 0 : index
    %get3A_39 = vector.load %arg11[%get3A_37, %get3A_38] : memref<128x128xf32, #tpu.memory_space<vmem>>, vector<128x128xf32>
    %dot_general3A_40 = arith.constant dense<0.000000e+00> : vector<2000x128xf32>
    %dot_general3A_41 = tpu.matmul %get3A_36, %get3A_39, %dot_general3A_40 {dimension_numbers = #tpu.dot_dimension_numbers<[1], [0], [0], [1], [0, 0, 1, 1], [], []>, transpose_lhs_hint = false} : vector<2000x128xf32>, vector<128x128xf32>, vector<2000x128xf32> -> vector<2000x128xf32>
    %get3A_42 = arith.constant 0 : index
    %get3A_43 = arith.constant 0 : index
    %get3A_44 = vector.load %arg12[%get3A_42, %get3A_43] : memref<1x128xf32, #tpu.memory_space<vmem>>, vector<1x128xf32>
    %add3A_45 = vector.broadcast %get3A_44 : vector<1x128xf32> to vector<2000x128xf32>
    %add3A_46 = arith.addf %dot_general3A_41, %add3A_45 : vector<2000x128xf32>
    %neg3A = arith.constant 0.000000e+00 : f32
    %neg3A_47 = vector.broadcast %neg3A : f32 to vector<2000x128xf32>
    %neg3A_48 = arith.subf %neg3A_47, %add3A_46 : vector<2000x128xf32>
    %exp3A = math.exp %neg3A_48 : vector<2000x128xf32>
    %add3A_49 = arith.constant 1.000000e+00 : f32
    %add3A_50 = vector.broadcast %add3A_49 : f32 to vector<2000x128xf32>
    %add3A_51 = arith.addf %add3A_50, %exp3A : vector<2000x128xf32>
    %div3A = arith.constant 1.000000e+00 : f32
    %div3A_52 = vector.broadcast %div3A : f32 to vector<2000x128xf32>
    %div3A_53 = arith.divf %div3A_52, %add3A_51 : vector<2000x128xf32>
    %get3A_54 = arith.constant 0 : index
    %get3A_55 = arith.constant 0 : index
    %get3A_56 = vector.load %arg2[%get3A_54, %get3A_55] : memref<2000x1xf32, #tpu.memory_space<vmem>>, vector<2000x1xf32>
    %mul3A = vector.broadcast %get3A_56 : vector<2000x1xf32> to vector<2000x128xf32>
    %mul3A_57 = arith.mulf %dot_general3A_8, %mul3A : vector<2000x128xf32>
    %add3A_58 = arith.addf %mul3A_57, %select_n3A : vector<2000x128xf32>
    %mul3A_59 = arith.mulf %div3A_53, %add3A_58 : vector<2000x128xf32>
    %sub3A = arith.constant 1.000000e+00 : f32
    %sub3A_60 = vector.broadcast %sub3A : f32 to vector<2000x128xf32>
    %sub3A_61 = arith.subf %sub3A_60, %div3A_53 : vector<2000x128xf32>
    %mul3A_62 = arith.mulf %sub3A_61, %get3A_36 : vector<2000x128xf32>
    %add3A_63 = arith.addf %mul3A_59, %mul3A_62 : vector<2000x128xf32>
    %swap3A = arith.constant 0 : index
    %swap3A_64 = arith.constant 0 : index
    %swap3A_65 = vector.load %arg13[%swap3A, %swap3A_64] : memref<2000x128xf32, #tpu.memory_space<vmem>>, vector<2000x128xf32>
    tpu.vector_store %arg13[%swap3A, %swap3A_64], %add3A_63 {strides = array<i32>} : memref<2000x128xf32, #tpu.memory_space<vmem>>, vector<2000x128xf32>,
    return
  }
  func.func @transform_0(%arg0: i32) -> (i32, i32) {
    %c0_i32 = arith.constant 0 : i32
    %c0_i32_0 = arith.constant 0 : i32
    return %arg0, %c0_i32 : i32, i32
  }
  func.func @transform_1(%arg0: i32) -> (i32, i32) {
    %c0_i32 = arith.constant 0 : i32
    %c0_i32_0 = arith.constant 0 : i32
    return %arg0, %c0_i32 : i32, i32
  }
  func.func @transform_2(%arg0: i32) -> (i32, i32) {
    %c0_i32 = arith.constant 0 : i32
    %c0_i32_0 = arith.constant 0 : i32
    return %arg0, %c0_i32 : i32, i32
  }
  func.func @transform_3(%arg0: i32) -> (i32, i32) {
    %c0_i32 = arith.constant 0 : i32
    %c0_i32_0 = arith.constant 0 : i32
    return %arg0, %c0_i32 : i32, i32
  }
  func.func @transform_4(%arg0: i32) -> (i32, i32) {
    %c0_i32 = arith.constant 0 : i32
    %c0_i32_0 = arith.constant 0 : i32
    return %arg0, %c0_i32 : i32, i32
  }
  func.func @transform_5(%arg0: i32) -> (i32, i32) {
    %c0_i32 = arith.constant 0 : i32
    %c0_i32_0 = arith.constant 0 : i32
    return %arg0, %c0_i32 : i32, i32
  }
  func.func @transform_6(%arg0: i32) -> (i32, i32) {
    %c0_i32 = arith.constant 0 : i32
    %c0_i32_0 = arith.constant 0 : i32
    return %arg0, %c0_i32 : i32, i32
  }
  func.func @transform_7(%arg0: i32) -> (i32, i32) {
    %c0_i32 = arith.constant 0 : i32
    %c0_i32_0 = arith.constant 0 : i32
    %c0_i32_1 = arith.constant 0 : i32
    return %c0_i32, %c0_i32_0 : i32, i32
  }
  func.func @transform_8(%arg0: i32) -> (i32, i32) {
    %c0_i32 = arith.constant 0 : i32
    %c0_i32_0 = arith.constant 0 : i32
    %c0_i32_1 = arith.constant 0 : i32
    return %c0_i32, %c0_i32_0 : i32, i32
  }
  func.func @transform_9(%arg0: i32) -> (i32, i32) {
    %c0_i32 = arith.constant 0 : i32
    %c0_i32_0 = arith.constant 0 : i32
    %c0_i32_1 = arith.constant 0 : i32
    return %c0_i32, %c0_i32_0 : i32, i32
  }
  func.func @transform_10(%arg0: i32) -> (i32, i32) {
    %c0_i32 = arith.constant 0 : i32
    %c0_i32_0 = arith.constant 0 : i32
    %c0_i32_1 = arith.constant 0 : i32
    return %c0_i32, %c0_i32_0 : i32, i32
  }
  func.func @transform_11(%arg0: i32) -> (i32, i32) {
    %c0_i32 = arith.constant 0 : i32
    %c0_i32_0 = arith.constant 0 : i32
    %c0_i32_1 = arith.constant 0 : i32
    return %c0_i32, %c0_i32_0 : i32, i32
  }
  func.func @transform_12(%arg0: i32) -> (i32, i32) {
    %c0_i32 = arith.constant 0 : i32
    %c0_i32_0 = arith.constant 0 : i32
    return %arg0, %c0_i32 : i32, i32
  }
}

</mosaic_0001>

<sc_bundles>
// kernel: kernel.4.cloned.1.call-start
scs
__scs_entry_jumppad:
0x0: {  	(pc) =	sbr.rel $0x88, $3  }
0x1: {  	(tag) =	ssettag $0x0;
	lr =	simm.s32 $0x1  }
0x2: {  	[smem:$0x3F96] =	sst lr;
	_ =	strace $0xD0000000  }
0x3: {  	_ = 	snop  }
0x4: {  	_ = 	snop  }
0x5: {  	_ = 	snop  }
0x6: {  	_ = 	snop  }
0x7: {  	_ = 	snop  }
__scs_overlays_trampoline_lowered:
0x8: {  	[smem:$0x3FA5] =	sst s0  }
0x9: {  	[smem:$0x3FA6] =	sst s1  }
0xa: {  	[smem:$0x3FA7] =	sst s2  }
0xb: {  	[smem:$0x3FA8] =	sst s3  }
0xc: {  	[smem:$0x3FA9] =	sst s4  }
0xd: {  	[smem:$0x3FAA] =	sst s5  }
0xe: {  	[smem:$0x3FAB] =	sst s6  }
0xf: {  	[smem:$0x3FAC] =	sst s7  }
0x10: {  	[smem:$0x3FAD] =	sst s8  }
0x11: {  	[smem:$0x3FAE] =	sst s9;
	s0 =	simm.s32 @!p0 $0x0  }
0x12: {  	s1 =	sld [smem:$0x3F94];
	s0 =	simm.s32 @p0 $0x1  }
0x13: {  	[smem:$0x3FAF] =	sst s0;
	s0 =	simm.s32 @!p1 $0x0  }
0x14: {  	s2 =	sld [smem:$0x3F93];
	s0 =	simm.s32 @p1 $0x1  }
0x15: {  	[smem:$0x3FB0] =	sst s0;
	s0 =	simm.s32 @!p2 $0x0  }
0x16: {  	s3 =	sld [smem:$0x3FDB];
	s0 =	simm.s32 @p2 $0x1  }
0x17: {  	s4 =	simm.s32 $0x1BF5;
	[smem:$0x3FB2] =	sst s0  }
0x18: {  	s0 =	sld [smem:$0x3F95];
	_ =	swait.ge [sflag:s4], $0x0  }
0x19: {  	s7 =	sld [smem:$0x3F96]  }
0x1a: {  	s8 =	sadd.s32 $0xFFFFE003, lr  }
0x1b: {  	s9 =	sadd.s32 $0xFFFFFEF7, lr;
	s5 =	simm.s32 $0xFFFFFFFF;
	p2 =	slt.u32 s8, $0xFFFFF086  }
0x1c: {  	p1 =	slt.u32 s9, $0xF7A;
	s5 =	simm.s32 @!p2 $0x0  }
0x1d: {  	s5 =	simm.s32 @p1 $0x1;
	p0 =	seq.s32 s7, s2  }
0x1e: {  	s7 =	smul.u32 @!p0 $0xF7A, s2;
	p2 =	seq.s32 @!p0 s5, $0x0  }
0x1f: {  	s9 =	smul.u32 $0xF7A, s1;
	s8 =	simm.s32 @!p0 $0x1BF5;
	p2 =	por !p2, p0  }
0x20: {  	[sflag:s8] =	ssyncset.s32 @!p0 $0xFFFFF086;
	s6 =	sadd.s32 @!p0 s3, s7;
	s7 =	simm.s32 @!p0 $0x108  }
0x21: {  	s3 =	sadd.s32 s3, s9;
	s6 =	sadd.s32 @!p0 $0x88, s6;
	s7 =	simm.s32 @p2 $0x1082  }
0x22: {  	[simem:s7], [sflag:s8] =	dma.local @!p0 [hbm:s6], $0xF7A  }
0x23: {  	s9 =	sor.u32 $0xD0000000, s2;
	s6 =	simm.s32 $0x108;
	_ =	swait.ge @!p0 [sflag:s8], $0x0  }
0x24: {  	s3 =	sadd.s32 $0x88, s3;
	s6 =	simm.s32 @!p1 $0x1082;
	[sflag:s4] =	ssyncset.s32 $0xFFFFF086  }
0x25: {  	[simem:s6], [sflag:s4] =	dma.local [hbm:s3], $0xF7A  }
0x26: {  	[smem:$0x3F96] =	sst s1;
	(tag) =	ssettag s2;
	_ =	strace s9  }
0x27: {  	s1 =	sld [smem:$0x3FA6]  }
0x28: {  	s2 =	sld [smem:$0x3FA7]  }
0x29: {  	s4 =	sld [smem:$0x3FA9]  }
0x2a: {  	p0 =	seq.s32 s5, $0x0;
	s5 =	sld [smem:$0x3FAA]  }
0x2b: {  	s6 =	sld [smem:$0x3FAB]  }
0x2c: {  	s7 =	sld [smem:$0x3FAC]  }
0x2d: {  	s3 =	simm.s32 $0x108;
	s8 =	sld [smem:$0x3FAD]  }
0x2e: {  	s3 =	simm.s32 @!p0 $0x1082;
	s9 =	sld [smem:$0x3FAE]  }
0x2f: {  	lr =	sadd.s32 s0, s3;
	s0 =	sld [smem:$0x3FA5]  }
0x30: {  	s3 =	sld [smem:$0x3FA8]  }
0x31: {  	[smem:$0x3FB1] =	sst s10  }
0x32: {  	s10 =	sld [smem:$0x3FAF];
	_ =	sdelay $0x3  }
0x33: {  	p0 =	seq.s32 s10, $0x1;
	s10 =	sld [smem:$0x3FB1];
	_ =	sdelay $0x3  }
0x34: {  	[smem:$0x3FB1] =	sst s10  }
0x35: {  	s10 =	sld [smem:$0x3FB0];
	_ =	sdelay $0x3  }
0x36: {  	p1 =	seq.s32 s10, $0x1;
	s10 =	sld [smem:$0x3FB1];
	_ =	sdelay $0x3  }
0x37: {  	[smem:$0x3FB1] =	sst s10  }
0x38: {  	s10 =	sld [smem:$0x3FB2]  }
0x39: {  	_ = 	snop;
	(pc) =	sbr.ind lr, $3  }
0x3a: {  	_ = 	snop  }
0x3b: {  	_ = 	snop  }
0x3c: {  	p2 =	seq.s32 s10, $0x1;
	s10 =	sld [smem:$0x3FB1]  }
0x3d: {  	_ =	shalt  }
0x3e: {  	_ =	shalt  }
0x3f: {  	_ =	shalt  }
0x40: {  	_ =	shalt  }
0x41: {  	_ =	shalt  }
0x42: {  	_ =	shalt  }
0x43: {  	_ =	shalt  }
0x44: {  	_ =	shalt  }
0x45: {  	_ =	shalt  }
0x46: {  	_ =	shalt  }
0x47: {  	_ =	shalt  }
0x48: {  	_ =	shalt  }
0x49: {  	_ =	shalt  }
0x4a: {  	_ =	shalt  }
0x4b: {  	_ =	shalt  }
0x4c: {  	_ =	shalt  }
0x4d: {  	_ =	shalt  }
0x4e: {  	_ =	shalt  }
0x4f: {  	_ =	shalt  }
0x50: {  	_ =	shalt  }
0x51: {  	_ =	shalt  }
0x52: {  	_ =	shalt  }
0x53: {  	_ =	shalt  }
0x54: {  	_ =	shalt  }
0x55: {  	_ =	shalt  }
0x56: {  	_ =	shalt  }
0x57: {  	_ =	shalt  }
0x58: {  	_ =	shalt  }
0x59: {  	_ =	shalt  }
0x5a: {  	_ =	shalt  }
0x5b: {  	_ =	shalt  }
0x5c: {  	_ =	shalt  }
0x5d: {  	_ =	shalt  }
0x5e: {  	_ =	shalt  }
0x5f: {  	_ =	shalt  }
0x60: {  	_ =	shalt  }
0x61: {  	_ =	shalt  }
0x62: {  	_ =	shalt  }
0x63: {  	_ =	shalt  }
0x64: {  	_ =	shalt  }
0x65: {  	_ =	shalt  }
0x66: {  	_ =	shalt  }
0x67: {  	_ =	shalt  }
0x68: {  	_ =	shalt  }
0x69: {  	_ =	shalt  }
0x6a: {  	_ =	shalt  }
0x6b: {  	_ =	shalt  }
0x6c: {  	_ =	shalt  }
0x6d: {  	_ =	shalt  }
0x6e: {  	_ =	shalt  }
0x6f: {  	_ =	shalt  }
0x70: {  	_ =	shalt  }
0x71: {  	_ =	shalt  }
0x72: {  	_ =	shalt  }
0x73: {  	_ =	shalt  }
0x74: {  	_ =	shalt  }
0x75: {  	_ =	shalt  }
0x76: {  	_ =	shalt  }
0x77: {  	_ =	shalt  }
0x78: {  	_ =	shalt  }
0x79: {  	_ =	shalt  }
0x7a: {  	_ =	shalt  }
0x7b: {  	_ =	shalt  }
0x7c: {  	_ =	shalt  }
0x7d: {  	_ =	shalt  }
0x7e: {  	_ =	shalt  }
0x7f: {  	_ =	shalt  }
0x80: {  	_ =	shalt  }
0x81: {  	_ =	shalt  }
0x82: {  	_ =	shalt  }
0x83: {  	_ =	shalt  }
0x84: {  	_ =	shalt  }
0x85: {  	_ =	shalt  }
0x86: {  	_ =	shalt  }
0x87: {  	_ =	shalt  }
.Lfunc_end0:
.L_simem_size_0:
called_computation_lowered:
.L_overlay_start_0:
0x88: {  	s2 =	sld [smem:$0x3FD9]  }
0x89: {  	s3 =	sld [smem:$0x3FFE];
	_ =	sdelay $0x1  }
0x8a: {  	s1 =	srdreg.scid  }
0x8b: {  	s0 =	sand.u32 $0x1, s1  }
0x8c: {  	s17 =	sshll.u32 s0, $0xA;
	s2 =	sadd.s32 s3, s2  }
0x8d: {  	s2 =	sadd.s32 s2, s17  }
0x8e: {  	[smem:$0x3FBD] =	sst s2  }
0x8f: {  	_ = 	snop  }
0x90: {  	s2 =	sld [smem:$0x3FC9]  }
0x91: {  	s18 =	sld [smem:$0x3FC6]  }
0x92: {  	s4 =	sld [smem:$0x3FD0];
	(tm) =	ssettm $0x1  }
0x93: {  	s5 =	sld [smem:$0x3FFB];
	_ =	sdelay $0x3  }
0x94: {  	_ =	strace s5  }
0x95: {  	s5 =	sld [smem:$0x3FFC];
	_ =	sdelay $0x3  }
0x96: {  	_ =	strace s5  }
0x97: {  	s5 =	sld [smem:$0x3FFD];
	_ =	sdelay $0x3  }
0x98: {  	_ =	strace s5  }
0x99: {  	_ =	strace $0x8FFFFFFF  }
0x9a: {  	s19 =	sld [smem:$0x3FDB];
	_ =	sdelay $0x1  }
0x9b: {  	s6 =	simm.s32 $_scs_section_size  }
0x9c: {  	s7 =	simm.s32 $_size__tile_overlayer_lowered;
	s8 =	simm.s32 $_tile_overlayer_lowered  }
0x9d: {  	s22 =	simm.s32 $0x1BFF;
	s21 =	sshll.u32 s8, $0x1;
	s5 =	sadd.s32 s6, s19  }
0x9e: {  	s9 =	simm.s32 $0x0;
	s20 =	sshll.u32 s7, $0x1;
	s7 =	sadd.s32 s21, s5  }
0x9f: {  	[timem:s9], [sflag:s22] =	dma.local [hbm:s7], s20  }
0xa0: {  	_ =	swait.ge [sflag:s22], s20  }
0xa1: {  	s6 =	ssub.s32 $0x0, s20;
	[sflag:s22] =	ssyncset.done $0x0  }
0xa2: {  	[sflag:s22] =	ssyncadd.s32 s6;
	_ =	sdelay $0x1  }
0xa3: {  	s23 =	simm.s32 $0x1B8B  }
0xa4: {  	_ =	swait.ge [sflag:s23], $0x1  }
0xa5: {  	[sflag:s23] =	ssyncset.done $0x0  }
0xa6: {  	s25 =	simm.s32 $0x1B8E;
	s24 =	sld [smem:$0x3FFE];
	[sflag:s23] =	ssyncadd.s32 $0xFFFFFFFF  }
0xa7: {  	s26 =	simm.s32 $execute0_lowered;
	[smem:$0x3FD2] =	sst s25  }
0xa8: {  	s7 =	sshll.u32 s26, $0x1;
	_ =	strace $0x80000046;
	[dreg:$0x1] =	wrdreg $0xFFFFFFFF  }
0xa9: {  	s28 =	simm.s32 $_size_execute0_lowered;
	s5 =	sadd.s32 s5, s7;
	[dreg:$0x0] =	wrdreg $0x0  }
0xaa: {  	s7 =	sshll.u32 s28, $0x1;
	[dreg:$0x2] =	wrdreg s5  }
0xab: {  	[dreg:$0x3] =	wrdreg s7  }
0xac: {  	[dreg:$0x4] =	wrdreg $0xC0  }
0xad: {  	_ =	task [dreg:s9], $0x5FFFF  }
0xae: {  	[dreg:$0x1] =	wrdreg $0xFFFFFFFF  }
0xaf: {  	[dreg:$0x0] =	wrdreg $0x60  }
0xb0: {  	[dreg:$0x2] =	wrdreg s2  }
0xb1: {  	[dreg:$0x3] =	wrdreg s18  }
0xb2: {  	[dreg:$0x4] =	wrdreg s4  }
0xb3: {  	[dreg:$0x5] =	wrdreg s24  }
0xb4: {  	[dreg:$0x6] =	wrdreg $0x80000  }
0xb5: {  	[dreg:$0x7] =	wrdreg $0x1C0000  }
0xb6: {  	[dreg:$0x8] =	wrdreg $0x9  }
0xb7: {  	_ =	task.clear_ibuf [dreg:s9], $0x9FFFF;
	_ =	strace $0x90000046  }
0xb8: {  	s29 =	simm.s32 $0x9;
	_ =	strace $0x80000048  }
0xb9: {  	_ =	swait.ge [sflag:s29], $0x1  }
0xba: {  	[sflag:s29] =	ssyncadd.s32 $0xFFFFFFFF  }
0xbb: {  	_ =	strace $0x90000048  }
0xbc: {  	_ =	sfence  }
0xbd: {  	s30 =	sld [smem:$0x0];
	_ =	sdelay $0x2  }
0xbe: {  	s31 =	sshll.u32 s1, $0xD;
	s1 =	sshrl.u32 s1, $0x2  }
0xbf: {  	s3 =	sand.u32 $0x4000, s31;
	s1 =	sadd.s32 s1, s30  }
0xc0: {  	s0 =	sor.u32 s3, s0;
	s1 =	sshll.u32 s1, $0x11  }
0xc1: {  	s0 =	sor.u32 s1, s0  }
0xc2: {  	s0 =	sadd.s32 $0x8F2B, s0  }
0xc3: {  	[sflag:s0] =	ssyncadd.remote.s32 $0x1  }
0xc4: {  	_ =	sfence.sel $0xFFFF  }
0xc5: {  	[dreg:$0x0] =	wrdreg $0xFFFFFFFF;
	(pc) =	sbr.abs _section_cstart, $3  }
0xc6: {  	[dreg:$0x1] =	wrdreg $0xFFFFFFFF  }
0xc7: {  	_ =	task.clear_ibuf [dreg:s9], $0x2FFFF;
	_ =	strace $0x9FFFFFFF  }
0xc8: {  	(tm) =	ssettm $0x7FFFFFFF  }
0xc9: {  	_ =	shalt  }
tec
execute0_lowered:
.L_overlay_start_1:
0x0: {  	(tag) =	ssettag $0x1  }
0x1: {  	s0 =	rddreg [dreg:$0x0]  }
0x2: {  	s1 =	rddreg [dreg:$0x1]  }
0x3: {  	s2 =	rddreg [dreg:$0x2]  }
0x4: {  	s3 =	rddreg [dreg:$0x3]  }
0x5: {  	s5 =	rddreg [dreg:$0x4];
	s4 =	srdreg.scid  }
0x6: {  	s6 =	rddreg [dreg:$0x5];
	s14 =	stileid.u32;
	s7 =	simm.s32 $0x0  }
0x7: {  	s15 =	simm.s32 $0x40;
	s17 =	simm.s32 $0x1800;
	s18 =	simm.s32 $0x3  }
0x8: {  	s19 =	simm.s32 $0x5800;
	s28 =	simm.s32 $0x7C00;
	s29 =	simm.s32 $0x7C80  }
0x9: {  	s30 =	simm.s32 $0x800;
	s31 =	simm.s32 $0x1000;
	s16 =	simm.s32 $0x2  }
0xa: {  	s4 =	sand.u32 $0x1, s4;
	s10 =	smul.u32 $0x14000, s14;
	[smem:$0x7FF] =	sst s7  }
0xb: {  	s8 =	sadd.s32 $0x2400, s3;
	s12 =	sshll.u32 s14, $0x1;
	s9 =	smul.u32 $0x140000, s4  }
0xc: {  	_ =	strace $0x80000047;
	s11 =	ssub.s32 $0x2, s4;
	s4 =	sor.u32 s4, s12  }
0xd: {  	s12 =	simm.s32 $0x0;
	s25 =	sshrl.u32 s11, $0x1;
	s10 =	sadd.s32 s10, s9  }
0xe: {  	s9 =	sadd.s32 $0x16400, s3;
	s13 =	ssub.s32 s11, s25;
	s11 =	smul.u32 $0x5000, s4  }
0xf: {  	s4 =	simm.s32 $0x1;
	s10 =	sshrl.u32 s10, $0x3;
	s26 =	smax.u32 s13, $0x1  }
0x10: {  	s3 =	sadd.s32 s10, s3;
	s10 =	smul.u32 $0x280, s14;
	[dreg:$0x7] =	wrdreg s26  }
0x11: {  	v0 =	vimm.f32 $0.0e+00;
	v1 =	vlaneseq.u32;
	v2 =	vimm.f32 $1.000000000e+00;
	s13 =	sadd.s32 $0x2A400, s3;
	s14 =	sadd.s32 $0x7A400, s3;
	s3 =	simm.s32 $0x3800  }
.LBB2_1:
0x12: {  	s20 =	simm.s32 $0x0;
	s21 =	simm.s32 $0x200  }
.LBB2_2:
0x13: {  	p0 =	sne.s32 s21, $0x7E00;
	[tilespmem:s20+$0x5800] =	vst v0  }
0x14: {  	[tilespmem:s20+$0x1800] =	vst v0  }
0x15: {  	[tilespmem:s20+$0x1810] =	vst v0  }
0x16: {  	[tilespmem:s20+$0x1820] =	vst v0  }
.Ltmp0:
0x17: {  	[tilespmem:s20+$0x1830] =	vst v0;
	(pc) =	sbr.rel @p0 .LBB2_2-.Ltmp0, $4  }
0x18: {  	[tilespmem:s20+$0x1840] =	vst v0  }
0x19: {  	[tilespmem:s20+$0x1850] =	vst v0  }
0x1a: {  	[tilespmem:s20+$0x1860] =	vst v0  }
0x1b: {  	[tilespmem:s20+$0x1870] =	vst v0;
	s20 =	sshra.s32 s21, $0x2;
	s21 =	sadd.s32 $0x200, s21  }
0x1c: {  	[tilespmem:s20+$0x5800] =	vst v0  }
0x1d: {  	[tilespmem:s20+$0x1800] =	vst v0  }
0x1e: {  	[tilespmem:s20+$0x1810] =	vst v0  }
0x1f: {  	[tilespmem:s20+$0x1820] =	vst v0  }
0x20: {  	[tilespmem:s20+$0x1830] =	vst v0  }
0x21: {  	[tilespmem:s20+$0x1840] =	vst v0  }
0x22: {  	[tilespmem:s20+$0x1850] =	vst v0;
	s22 =	sadd.s32 $0x0, s10  }
0x23: {  	[tilespmem:s20+$0x1860] =	vst v0;
	s21 =	sadd.s32 $0x30, s22  }
0x24: {  	[tilespmem:s20+$0x1870] =	vst v0;
	s20 =	simm.s32 $0x7820;
	s23 =	sadd.s32 $0x10, s22;
	v3 =	vor.u32 s21, v1  }
0x25: {  	s26 =	sadd.s32 $0x20, s22;
	v4 =	vor.u32 s23, v1;
	[tilespmem:s20+$0x10] =	vst v3  }
0x26: {  	v5 =	vor.u32 s26, v1;
	[tilespmem:s20+$0xFFFFFFF0] =	vst v4  }
0x27: {  	s21 =	simm.s32 $0x40;
	v3 =	vor.u32 s22, v1;
	[tilespmem:s20+$0x0] =	vst v5  }
.LBB2_4:
0x28: {  	s22 =	sadd.s32 s21, s10  }
0x29: {  	p0 =	sne.s32 s21, $0x240;
	s21 =	sadd.s32 $0x40, s21;
	[tilespmem:s20+$0xFFFFFFE0] =	vst v3;
	s23 =	sadd.s32 $0x10, s22  }
.Ltmp1:
0x2a: {  	v3 =	vor.u32 s22, v1;
	s24 =	sadd.s32 $0x20, s22;
	s22 =	sadd.s32 $0x30, s22;
	(pc) =	sbr.rel @p0 .LBB2_4-.Ltmp1, $4  }
0x2b: {  	s20 =	sadd.s32 $0x80, s20;
	v4 =	vor.u32 s23, v1;
	v5 =	vor.u32 s24, v1;
	v6 =	vor.u32 s22, v1  }
0x2c: {  	[tilespmem:s20+$0x10] =	vst v6  }
0x2d: {  	[tilespmem:s20+$0xFFFFFFF0] =	vst v4  }
0x2e: {  	[tilespmem:s20+$0x0] =	vst v5  }
0x2f: {  	[tilespmem:s20+$0xFFFFFFE0] =	vst v3;
	s25 =	simm.s32 $0x7800  }
0x30: {  	[spmem:s5] =	stream.indirect.scatter [tilespmem:s17], [sflag:$0x3], $0x80, s25, s15, $0xb8;
	[tilespmem:$0x1E800] =	vst v63  }
0x31: {  	_ =	swait.ge [sflag:s18], $0x2000  }
0x32: {  	[sflag:s18] =	ssyncset.done $0x0  }
0x33: {  	[sflag:s18] =	ssyncadd.s32 $0xFFFFE000  }
0x34: {  	[spmem:s6] =	stream.indirect.scatter [tilespmem:s19], [sflag:$0x3], $0x10, s25, s15, $0xb8;
	[tilespmem:$0x1E800] =	vst v63  }
0x35: {  	_ =	swait.ge [sflag:s18], $0x400  }
0x36: {  	[sflag:s18] =	ssyncset.done $0x0  }
0x37: {  	s26 =	simm.s32 $0x7880;
	[sflag:s18] =	ssyncadd.s32 $0xFFFFFC00  }
0x38: {  	[spmem:s5] =	stream.indirect.scatter [tilespmem:s17], [sflag:$0x3], $0x80, s26, s15, $0xb8;
	[tilespmem:$0x1E800] =	vst v63  }
0x39: {  	_ =	swait.ge [sflag:s18], $0x2000  }
0x3a: {  	[sflag:s18] =	ssyncset.done $0x0  }
0x3b: {  	[sflag:s18] =	ssyncadd.s32 $0xFFFFE000  }
0x3c: {  	[spmem:s6] =	stream.indirect.scatter [tilespmem:s19], [sflag:$0x3], $0x10, s26, s15, $0xb8;
	[tilespmem:$0x1E800] =	vst v63  }
0x3d: {  	_ =	swait.ge [sflag:s18], $0x400  }
0x3e: {  	[sflag:s18] =	ssyncset.done $0x0  }
0x3f: {  	s21 =	simm.s32 $0x7900;
	[sflag:s18] =	ssyncadd.s32 $0xFFFFFC00  }
0x40: {  	[spmem:s5] =	stream.indirect.scatter [tilespmem:s17], [sflag:$0x3], $0x80, s21, s15, $0xb8;
	[tilespmem:$0x1E800] =	vst v63  }
0x41: {  	_ =	swait.ge [sflag:s18], $0x2000  }
0x42: {  	[sflag:s18] =	ssyncset.done $0x0  }
0x43: {  	[sflag:s18] =	ssyncadd.s32 $0xFFFFE000  }
0x44: {  	[spmem:s6] =	stream.indirect.scatter [tilespmem:s19], [sflag:$0x3], $0x10, s21, s15, $0xb8;
	[tilespmem:$0x1E800] =	vst v63  }
0x45: {  	_ =	swait.ge [sflag:s18], $0x400  }
0x46: {  	[sflag:s18] =	ssyncset.done $0x0  }
0x47: {  	s22 =	simm.s32 $0x7980;
	[sflag:s18] =	ssyncadd.s32 $0xFFFFFC00  }
0x48: {  	[spmem:s5] =	stream.indirect.scatter [tilespmem:s17], [sflag:$0x3], $0x80, s22, s15, $0xb8;
	[tilespmem:$0x1E800] =	vst v63  }
0x49: {  	_ =	swait.ge [sflag:s18], $0x2000  }
0x4a: {  	[sflag:s18] =	ssyncset.done $0x0  }
0x4b: {  	[sflag:s18] =	ssyncadd.s32 $0xFFFFE000  }
0x4c: {  	[spmem:s6] =	stream.indirect.scatter [tilespmem:s19], [sflag:$0x3], $0x10, s22, s15, $0xb8;
	[tilespmem:$0x1E800] =	vst v63  }
0x4d: {  	_ =	swait.ge [sflag:s18], $0x400  }
0x4e: {  	[sflag:s18] =	ssyncset.done $0x0  }
0x4f: {  	s23 =	simm.s32 $0x7A00;
	[sflag:s18] =	ssyncadd.s32 $0xFFFFFC00  }
0x50: {  	[spmem:s5] =	stream.indirect.scatter [tilespmem:s17], [sflag:$0x3], $0x80, s23, s15, $0xb8;
	[tilespmem:$0x1E800] =	vst v63  }
0x51: {  	_ =	swait.ge [sflag:s18], $0x2000  }
0x52: {  	[sflag:s18] =	ssyncset.done $0x0  }
0x53: {  	[sflag:s18] =	ssyncadd.s32 $0xFFFFE000  }
0x54: {  	[spmem:s6] =	stream.indirect.scatter [tilespmem:s19], [sflag:$0x3], $0x10, s23, s15, $0xb8;
	[tilespmem:$0x1E800] =	vst v63  }
0x55: {  	_ =	swait.ge [sflag:s18], $0x400  }
0x56: {  	[sflag:s18] =	ssyncset.done $0x0  }
0x57: {  	s24 =	simm.s32 $0x7A80;
	[sflag:s18] =	ssyncadd.s32 $0xFFFFFC00  }
0x58: {  	[spmem:s5] =	stream.indirect.scatter [tilespmem:s17], [sflag:$0x3], $0x80, s24, s15, $0xb8;
	[tilespmem:$0x1E800] =	vst v63  }
0x59: {  	_ =	swait.ge [sflag:s18], $0x2000  }
0x5a: {  	[sflag:s18] =	ssyncset.done $0x0  }
0x5b: {  	[sflag:s18] =	ssyncadd.s32 $0xFFFFE000  }
0x5c: {  	[spmem:s6] =	stream.indirect.scatter [tilespmem:s19], [sflag:$0x3], $0x10, s24, s15, $0xb8;
	[tilespmem:$0x1E800] =	vst v63  }
0x5d: {  	_ =	swait.ge [sflag:s18], $0x400  }
0x5e: {  	[sflag:s18] =	ssyncset.done $0x0  }
0x5f: {  	s25 =	simm.s32 $0x7B00;
	[sflag:s18] =	ssyncadd.s32 $0xFFFFFC00  }
0x60: {  	[spmem:s5] =	stream.indirect.scatter [tilespmem:s17], [sflag:$0x3], $0x80, s25, s15, $0xb8;
	[tilespmem:$0x1E800] =	vst v63  }
0x61: {  	_ =	swait.ge [sflag:s18], $0x2000  }
0x62: {  	[sflag:s18] =	ssyncset.done $0x0  }
0x63: {  	[sflag:s18] =	ssyncadd.s32 $0xFFFFE000  }
0x64: {  	[spmem:s6] =	stream.indirect.scatter [tilespmem:s19], [sflag:$0x3], $0x10, s25, s15, $0xb8;
	[tilespmem:$0x1E800] =	vst v63  }
0x65: {  	_ =	swait.ge [sflag:s18], $0x400  }
0x66: {  	[sflag:s18] =	ssyncset.done $0x0  }
0x67: {  	s26 =	simm.s32 $0x7B80;
	[sflag:s18] =	ssyncadd.s32 $0xFFFFFC00  }
0x68: {  	[spmem:s5] =	stream.indirect.scatter [tilespmem:s17], [sflag:$0x3], $0x80, s26, s15, $0xb8;
	[tilespmem:$0x1E800] =	vst v63  }
0x69: {  	_ =	swait.ge [sflag:s18], $0x2000  }
0x6a: {  	[sflag:s18] =	ssyncset.done $0x0  }
0x6b: {  	[sflag:s18] =	ssyncadd.s32 $0xFFFFE000  }
0x6c: {  	[spmem:s6] =	stream.indirect.scatter [tilespmem:s19], [sflag:$0x3], $0x10, s26, s15, $0xb8;
	[tilespmem:$0x1E800] =	vst v63  }
0x6d: {  	_ =	swait.ge [sflag:s18], $0x400  }
0x6e: {  	[sflag:s18] =	ssyncset.done $0x0  }
0x6f: {  	[sflag:s18] =	ssyncadd.s32 $0xFFFFFC00  }
0x70: {  	[spmem:s5] =	stream.indirect.scatter [tilespmem:s17], [sflag:$0x3], $0x80, s28, s15, $0xb8;
	[tilespmem:$0x1E800] =	vst v63  }
0x71: {  	_ =	swait.ge [sflag:s18], $0x2000  }
0x72: {  	[sflag:s18] =	ssyncset.done $0x0  }
0x73: {  	[sflag:s18] =	ssyncadd.s32 $0xFFFFE000  }
0x74: {  	[spmem:s6] =	stream.indirect.scatter [tilespmem:s19], [sflag:$0x3], $0x10, s28, s15, $0xb8;
	[tilespmem:$0x1E800] =	vst v63  }
0x75: {  	_ =	swait.ge [sflag:s18], $0x400  }
0x76: {  	[sflag:s18] =	ssyncset.done $0x0  }
0x77: {  	[sflag:s18] =	ssyncadd.s32 $0xFFFFFC00  }
0x78: {  	[spmem:s5] =	stream.indirect.scatter [tilespmem:s17], [sflag:$0x3], $0x80, s29, s15, $0xb8;
	[tilespmem:$0x1E800] =	vst v63  }
0x79: {  	_ =	swait.ge [sflag:s18], $0x2000  }
0x7a: {  	[sflag:s18] =	ssyncset.done $0x0  }
0x7b: {  	[sflag:s18] =	ssyncadd.s32 $0xFFFFE000  }
0x7c: {  	[spmem:s6] =	stream.indirect.scatter [tilespmem:s19], [sflag:$0x3], $0x10, s29, s15, $0xb8;
	[tilespmem:$0x1E800] =	vst v63  }
0x7d: {  	_ =	swait.ge [sflag:s18], $0x400  }
0x7e: {  	[sflag:s18] =	ssyncset.done $0x0  }
0x7f: {  	[sflag:s18] =	ssyncadd.s32 $0xFFFFFC00  }
0x80: {  	[tilespmem:$0x5800] =	vst v2  }
0x81: {  	[tilespmem:$0x5880] =	vst v2  }
0x82: {  	[tilespmem:$0x5900] =	vst v2  }
0x83: {  	[tilespmem:$0x5980] =	vst v2  }
0x84: {  	[tilespmem:$0x5A00] =	vst v2  }
0x85: {  	[tilespmem:$0x5A80] =	vst v2  }
0x86: {  	[tilespmem:$0x5B00] =	vst v2  }
0x87: {  	[tilespmem:$0x5B80] =	vst v2  }
0x88: {  	[tilespmem:$0x5C00] =	vst v2  }
0x89: {  	[tilespmem:$0x5C80] =	vst v2  }
0x8a: {  	[tilespmem:$0x5D00] =	vst v2  }
0x8b: {  	[tilespmem:$0x5D80] =	vst v2  }
0x8c: {  	[tilespmem:$0x5E00] =	vst v2  }
0x8d: {  	[tilespmem:$0x5E80] =	vst v2  }
0x8e: {  	[tilespmem:$0x5F00] =	vst v2  }
0x8f: {  	[tilespmem:$0x5F80] =	vst v2  }
0x90: {  	[tilespmem:$0x6000] =	vst v2  }
0x91: {  	[tilespmem:$0x6080] =	vst v2  }
0x92: {  	[tilespmem:$0x6100] =	vst v2  }
0x93: {  	[tilespmem:$0x6180] =	vst v2  }
0x94: {  	[tilespmem:$0x6200] =	vst v2  }
0x95: {  	[tilespmem:$0x6280] =	vst v2  }
0x96: {  	[tilespmem:$0x6300] =	vst v2  }
0x97: {  	[tilespmem:$0x6380] =	vst v2  }
0x98: {  	[tilespmem:$0x6400] =	vst v2  }
0x99: {  	[tilespmem:$0x6480] =	vst v2  }
0x9a: {  	[tilespmem:$0x6500] =	vst v2  }
0x9b: {  	[tilespmem:$0x6580] =	vst v2  }
0x9c: {  	[tilespmem:$0x6600] =	vst v2  }
0x9d: {  	[tilespmem:$0x6680] =	vst v2  }
0x9e: {  	[tilespmem:$0x6700] =	vst v2  }
0x9f: {  	[tilespmem:$0x6780] =	vst v2  }
0xa0: {  	[tilespmem:$0x6800] =	vst v2  }
0xa1: {  	[tilespmem:$0x6880] =	vst v2  }
0xa2: {  	[tilespmem:$0x6900] =	vst v2  }
0xa3: {  	[tilespmem:$0x6980] =	vst v2  }
0xa4: {  	[tilespmem:$0x6A00] =	vst v2  }
0xa5: {  	[tilespmem:$0x6A80] =	vst v2  }
0xa6: {  	[tilespmem:$0x6B00] =	vst v2  }
0xa7: {  	[tilespmem:$0x6B80] =	vst v2  }
0xa8: {  	[tilespmem:$0x6C00] =	vst v2  }
0xa9: {  	[tilespmem:$0x6C80] =	vst v2  }
0xaa: {  	[tilespmem:$0x6D00] =	vst v2  }
0xab: {  	[tilespmem:$0x6D80] =	vst v2  }
0xac: {  	[tilespmem:$0x6E00] =	vst v2  }
0xad: {  	[tilespmem:$0x6E80] =	vst v2  }
0xae: {  	[tilespmem:$0x6F00] =	vst v2  }
0xaf: {  	[tilespmem:$0x6F80] =	vst v2  }
0xb0: {  	[tilespmem:$0x7000] =	vst v2  }
0xb1: {  	[tilespmem:$0x7080] =	vst v2  }
0xb2: {  	[tilespmem:$0x7100] =	vst v2  }
0xb3: {  	[tilespmem:$0x7180] =	vst v2  }
0xb4: {  	[tilespmem:$0x7200] =	vst v2  }
0xb5: {  	[tilespmem:$0x7280] =	vst v2  }
0xb6: {  	[tilespmem:$0x7300] =	vst v2  }
0xb7: {  	[tilespmem:$0x7380] =	vst v2  }
0xb8: {  	[tilespmem:$0x7400] =	vst v2  }
0xb9: {  	[tilespmem:$0x7480] =	vst v2  }
0xba: {  	[tilespmem:$0x7500] =	vst v2  }
0xbb: {  	[tilespmem:$0x7580] =	vst v2  }
0xbc: {  	[tilespmem:$0x7600] =	vst v2  }
0xbd: {  	[tilespmem:$0x7680] =	vst v2  }
0xbe: {  	[tilespmem:$0x7700] =	vst v2  }
0xbf: {  	[tilespmem:$0x7780] =	vst v2  }
0xc0: {  	s20 =	simm.s32 $0x0;
	s21 =	simm.s32 $0x0;
	[bflag:$0x0] =	sbarrier.arrive $0xFFFF  }
.LBB2_6:
0xc1: {  	s22 =	sshll.u32 s21, $0xB  }
0xc2: {  	s22 =	sadd.s32 s11, s22  }
0xc3: {  	s22 =	sshrl.u32 s22, $0x3  }
0xc4: {  	s23 =	sadd.s32 s2, s22  }
0xc5: {  	[tilespmem:s20], [sflag:$0x3] =	stream.linear.gather [hbm4b:s23+s20], $0x800, $0x38;
	[tilespmem:$0x1E800] =	vst v63  }
0xc6: {  	_ =	swait.ge [sflag:s18], $0x800  }
0xc7: {  	[sflag:s18] =	ssyncset.done $0x0  }
0xc8: {  	s26 =	sadd.s32 s8, s22;
	[sflag:s18] =	ssyncadd.s32 $0xFFFFF800  }
0xc9: {  	[tilespmem:s30], [sflag:$0x3] =	stream.linear.gather [hbm4b:s26+s20], $0x800, $0x38;
	[tilespmem:$0x1E800] =	vst v63  }
0xca: {  	_ =	swait.ge [sflag:s18], $0x800  }
0xcb: {  	[sflag:s18] =	ssyncset.done $0x0  }
0xcc: {  	s22 =	sadd.s32 s9, s22;
	[sflag:s18] =	ssyncadd.s32 $0xFFFFF800  }
0xcd: {  	[tilespmem:s31], [sflag:$0x3] =	stream.linear.gather [hbm4b:s22+s20], $0x800, $0x38;
	[tilespmem:$0x1E800] =	vst v63  }
0xce: {  	_ =	swait.ge [sflag:s18], $0x800  }
0xcf: {  	[sflag:s18] =	ssyncset.done $0x0  }
0xd0: {  	s22 =	simm.s32 $0x0;
	[sflag:s18] =	ssyncadd.s32 $0xFFFFF800  }
.LBB2_7:
0xd1: {  	s23 =	sshll.u32 s22, $0x7  }
0xd2: {  	[tilespmem:s17], [sflag:$0x1] =	stream.indirect.gather [hbm4b:s0+s15], $0x80, s23, s15, $0xb8;
	[tilespmem:$0x1E800] =	vst v63  }
0xd3: {  	s24 =	sadd.s32 $0x1000, s23  }
0xd4: {  	[tilespmem:s3], [sflag:$0x2] =	stream.indirect.gather [hbm4b:s1+s15], $0x80, s24, s15, $0xb8;
	[tilespmem:$0x1E800] =	vst v63  }
0xd5: {  	_ =	swait.ge [sflag:s4], $0x2000  }
0xd6: {  	[sflag:s4] =	ssyncset.done $0x0  }
0xd7: {  	[sflag:s4] =	ssyncadd.s32 $0xFFFFE000  }
0xd8: {  	_ =	swait.ge [sflag:s16], $0x2000  }
0xd9: {  	[sflag:s16] =	ssyncset.done $0x0  }
0xda: {  	s24 =	simm.s32 $0x0;
	[sflag:s16] =	ssyncadd.s32 $0xFFFFE000  }
0xdb: {  	v10 =	vld [tilespmem:s24+$0x3800]  }
0xdc: {  	v14 =	vld [tilespmem:s24+$0x3810]  }
0xdd: {  	v8 =	vld [tilespmem:s24+$0x3820]  }
0xde: {  	v7 =	vld [tilespmem:s24+$0x3830]  }
0xdf: {  	v6 =	vld [tilespmem:s24+$0x3840]  }
0xe0: {  	v5 =	vld [tilespmem:s24+$0x3850]  }
0xe1: {  	v4 =	vld [tilespmem:s24+$0x3860]  }
0xe2: {  	v3 =	vld [tilespmem:s24+$0x3870]  }
0xe3: {  	v15 =	vld [tilespmem:s24+$0x1800]  }
0xe4: {  	v16 =	vld [tilespmem:s24+$0x1810]  }
0xe5: {  	v13 =	vld [tilespmem:s24+$0x1820]  }
0xe6: {  	v12 =	vld [tilespmem:s24+$0x1830]  }
0xe7: {  	v11 =	vld [tilespmem:s24+$0x1840]  }
0xe8: {  	v9 =	vld [tilespmem:s24+$0x1850];
	v15 =	vadd.f32 v10, v15  }
0xe9: {  	s25 =	simm.s32 $0x200;
	v14 =	vadd.f32 v14, v16;
	v10 =	vld [tilespmem:s24+$0x1860]  }
.LBB2_8:
0xea: {  	s26 =	sshra.s32 s25, $0x2;
	p0 =	sne.s32 s25, $0x7E00;
	[tilespmem:s24+$0x1800] =	vst v15;
	v8 =	vadd.f32 v8, v13;
	v13 =	vld [tilespmem:s24+$0x1870]  }
0xeb: {  	v15 =	vld [tilespmem:s26+$0x3800];
	[tilespmem:s24+$0x1810] =	vst v14;
	v7 =	vadd.f32 v7, v12  }
0xec: {  	v14 =	vld [tilespmem:s26+$0x3810];
	[tilespmem:s24+$0x1820] =	vst v8;
	v6 =	vadd.f32 v6, v11  }
0xed: {  	v8 =	vld [tilespmem:s26+$0x3820];
	[tilespmem:s24+$0x1830] =	vst v7;
	v5 =	vadd.f32 v5, v9  }
0xee: {  	v7 =	vld [tilespmem:s26+$0x3830];
	[tilespmem:s24+$0x1840] =	vst v6;
	v4 =	vadd.f32 v4, v10  }
0xef: {  	v6 =	vld [tilespmem:s26+$0x3840];
	[tilespmem:s24+$0x1850] =	vst v5;
	v3 =	vadd.f32 v3, v13  }
0xf0: {  	v5 =	vld [tilespmem:s26+$0x3850];
	[tilespmem:s24+$0x1860] =	vst v4  }
0xf1: {  	v4 =	vld [tilespmem:s26+$0x3860];
	[tilespmem:s24+$0x1870] =	vst v3;
	s24 =	smov.u32 s26  }
0xf2: {  	v3 =	vld [tilespmem:s24+$0x3870]  }
0xf3: {  	v9 =	vld [tilespmem:s24+$0x1800]  }
0xf4: {  	v10 =	vld [tilespmem:s24+$0x1810]  }
.Ltmp2:
0xf5: {  	v13 =	vld [tilespmem:s24+$0x1820];
	(pc) =	sbr.rel @p0 .LBB2_8-.Ltmp2, $4  }
0xf6: {  	v12 =	vld [tilespmem:s24+$0x1830]  }
0xf7: {  	v11 =	vld [tilespmem:s24+$0x1840]  }
0xf8: {  	v15 =	vadd.f32 v15, v9;
	v9 =	vld [tilespmem:s24+$0x1850]  }
0xf9: {  	s25 =	sadd.s32 $0x200, s25;
	v14 =	vadd.f32 v14, v10;
	v10 =	vld [tilespmem:s24+$0x1860]  }
0xfa: {  	[tilespmem:s24+$0x1800] =	vst v15;
	v8 =	vadd.f32 v8, v13;
	v63 =	vld [tilespmem:s24+$0x1870]  }
0xfb: {  	[tilespmem:s24+$0x1810] =	vst v14;
	v7 =	vadd.f32 v7, v12  }
0xfc: {  	[tilespmem:s24+$0x1820] =	vst v8;
	v6 =	vadd.f32 v6, v11  }
0xfd: {  	[tilespmem:s24+$0x1830] =	vst v7;
	v5 =	vadd.f32 v5, v9  }
0xfe: {  	[tilespmem:s24+$0x1840] =	vst v6;
	v4 =	vadd.f32 v4, v10  }
0xff: {  	[tilespmem:s24+$0x1850] =	vst v5;
	v3 =	vadd.f32 v3, v63  }
0x100: {  	[tilespmem:s24+$0x1860] =	vst v4  }
0x101: {  	s23 =	sadd.s32 $0x800, s23;
	[tilespmem:s24+$0x1870] =	vst v3  }
0x102: {  	[spmem:s5] =	stream.indirect.scatter.add.f32 [tilespmem:s17], [sflag:$0x3], $0x80, s23, s15, $0xb8;
	[tilespmem:$0x1E800] =	vst v63  }
0x103: {  	s22 =	sadd.s32 $0x1, s22;
	_ =	swait.ge [sflag:s18], $0x2000  }
0x104: {  	p0 =	sne.s32 s22, $0x10;
	[sflag:s18] =	ssyncset.done $0x0  }
.Ltmp3:
0x105: {  	[sflag:s18] =	ssyncadd.s32 $0xFFFFE000;
	(pc) =	sbr.rel @p0 .LBB2_7-.Ltmp3, $4  }
0x106: {  	[spmem:s6] =	stream.indirect.scatter.add.f32 [tilespmem:s19], [sflag:$0x3], $0x10, s23, s15, $0xb8;
	[tilespmem:$0x1E800] =	vst v63  }
0x107: {  	_ =	swait.ge [sflag:s18], $0x400  }
0x108: {  	[sflag:s18] =	ssyncset.done $0x0  }
0x109: {  	[sflag:s18] =	ssyncadd.s32 $0xFFFFFC00  }
0x10a: {  	s21 =	sadd.s32 $0x1, s21  }
0x10b: {  	p0 =	sne.s32 s21, $0xA  }
.Ltmp4:
0x10c: {  	_ = 	snop;
	(pc) =	sbr.rel @p0 .LBB2_6-.Ltmp4, $1  }
0x10d: {  	_ =	sdelay $0x3  }
0x10e: {  	[bflag:$0x0] =	sbarrier.arrive $0xFFFF;
	s20 =	simm.s32 $0x7800  }
0x10f: {  	[tilespmem:s17], [sflag:$0x3] =	stream.indirect.gather [spmem:s5], $0x80, s20, s15, $0xb8;
	[tilespmem:$0x1E800] =	vst v63  }
0x110: {  	_ =	swait.ge [sflag:s18], $0x2000  }
0x111: {  	[sflag:s18] =	ssyncset.done $0x0  }
0x112: {  	s21 =	sadd.s32 $0x0, s14;
	[sflag:s18] =	ssyncadd.s32 $0xFFFFE000  }
0x113: {  	[hbm4b:s21+s7] =	stream.linear.scatter [tilespmem:s17], [sflag:$0x3], $0x2000, $0x38;
	[tilespmem:$0x1E800] =	vst v63  }
0x114: {  	_ =	swait.ge [sflag:s18], $0x2000  }
0x115: {  	[sflag:s18] =	ssyncset.done $0x0  }
0x116: {  	[sflag:s18] =	ssyncadd.s32 $0xFFFFE000  }
0x117: {  	[tilespmem:s19], [sflag:$0x3] =	stream.indirect.gather [spmem:s6], $0x10, s20, s15, $0xb8;
	[tilespmem:$0x1E800] =	vst v63  }
0x118: {  	_ =	swait.ge [sflag:s18], $0x400  }
0x119: {  	[sflag:s18] =	ssyncset.done $0x0  }
0x11a: {  	s26 =	sadd.s32 $0x0, s13;
	[sflag:s18] =	ssyncadd.s32 $0xFFFFFC00  }
0x11b: {  	[hbm4b:s26+s7] =	stream.linear.scatter [tilespmem:s19], [sflag:$0x3], $0x2000, $0x38;
	[tilespmem:$0x1E800] =	vst v63  }
0x11c: {  	_ =	swait.ge [sflag:s18], $0x2000  }
0x11d: {  	s21 =	simm.s32 $0x400;
	[sflag:s18] =	ssyncset.done $0x0  }
.LBB2_12:
0x11e: {  	p0 =	sne.s32 s21, $0x2400;
	[sflag:s18] =	ssyncadd.s32 $0xFFFFE000;
	s20 =	sadd.s32 $0x80, s20  }
0x11f: {  	[tilespmem:s17], [sflag:$0x3] =	stream.indirect.gather [spmem:s5], $0x80, s20, s15, $0xb8;
	[tilespmem:$0x1E800] =	vst v63  }
0x120: {  	s22 =	smov.u32 s21;
	s21 =	sadd.s32 $0x400, s21;
	_ =	swait.ge [sflag:s18], $0x2000  }
0x121: {  	[sflag:s18] =	ssyncset.done $0x0  }
0x122: {  	s23 =	sadd.s32 s22, s14;
	[sflag:s18] =	ssyncadd.s32 $0xFFFFE000  }
0x123: {  	[hbm4b:s23+s7] =	stream.linear.scatter [tilespmem:s17], [sflag:$0x3], $0x2000, $0x38;
	[tilespmem:$0x1E800] =	vst v63  }
0x124: {  	_ =	swait.ge [sflag:s18], $0x2000  }
0x125: {  	[sflag:s18] =	ssyncset.done $0x0  }
0x126: {  	[sflag:s18] =	ssyncadd.s32 $0xFFFFE000  }
0x127: {  	[tilespmem:s19], [sflag:$0x3] =	stream.indirect.gather [spmem:s6], $0x10, s20, s15, $0xb8;
	[tilespmem:$0x1E800] =	vst v63  }
0x128: {  	_ =	swait.ge [sflag:s18], $0x400  }
.Ltmp5:
0x129: {  	[sflag:s18] =	ssyncset.done $0x0;
	(pc) =	sbr.rel @p0 .LBB2_12-.Ltmp5, $4  }
0x12a: {  	s22 =	sadd.s32 s22, s13;
	[sflag:s18] =	ssyncadd.s32 $0xFFFFFC00  }
0x12b: {  	[hbm4b:s22+s7] =	stream.linear.scatter [tilespmem:s19], [sflag:$0x3], $0x2000, $0x38;
	[tilespmem:$0x1E800] =	vst v63  }
0x12c: {  	_ =	swait.ge [sflag:s18], $0x2000  }
0x12d: {  	[sflag:s18] =	ssyncset.done $0x0  }
0x12e: {  	s12 =	sadd.s32 $0x1, s12;
	s20 =	rddreg [dreg:$0x7]  }
0x12f: {  	p0 =	sne.s32 s12, s20  }
.Ltmp6:
0x130: {  	_ = 	snop;
	(pc) =	sbr.rel @p0 .LBB2_1-.Ltmp6, $2  }
0x131: {  	_ =	sdelay $0x2  }
0x132: {  	[sflag:s18] =	ssyncadd.s32 $0xFFFFE000  }
0x133: {  	_ =	sfence.sel $0x180000  }
0x134: {  	[bflag:$0x0] =	sbarrier.arrive $0xFFFF  }
0x135: {  	_ =	strace $0x90000047  }
0x136: {  	s0 =	stileid.u32;
	[bflag:$0x2] =	sbarrier.arrive $0xFFFF  }
0x137: {  	p0 =	sne.s32 s0, $0x0;
	s0 =	rddreg [dreg:$0x6]  }
0x138: {  	s0 =	sadd.s32 @!p0 $0x100000, s0  }
0x139: {  	[sflag:s0] =	ssyncadd.tile.s32 @!p0 $0x1;
	_ =	shalt  }
.Lfunc_end2:
_tile_overlayer_lowered:
.L_overlay_start_2:
0x13a: {  	(tag) =	ssettag $0x2  }
0x13b: {  	s0 =	rddreg [dreg:$0x0];
	s2 =	stileid.u32  }
0x13c: {  	s1 =	rddreg [dreg:$0x1];
	p0 =	sne.s32 s2, $0x0  }
0x13d: {  	s3 =	rddreg [dreg:$0x2];
	[bflag:$0x3] =	sbarrier.arrive $0xFFFF;
	s2 =	simm.s32 @!p0 $0x1C03  }
0x13e: {  	[timem:s3], [sflag:s2] =	dma.local @!p0 [hbm:s0], s1  }
0x13f: {  	s0 =	simm.s32 @!p0 $0x3  }
0x140: {  	_ =	swait.ge @!p0 [sflag:s0], s1  }
0x141: {  	s1 =	ssub.s32 @!p0 $0x0, s1;
	[sflag:s0] =	ssyncset.done @!p0 $0x0  }
0x142: {  	[sflag:s0] =	ssyncadd.s32 @!p0 s1  }
0x143: {  	[bflag:$0x3] =	sbarrier.arrive $0xFFFF  }
0x144: {  	_ =	shalt  }

</sc_bundles>
